<compile_context>
chip_gen: v7x
topology: tpu7x:2x2x1
jax: 0.10.2.dev20260603
libtpu: 0.0.44.dev20260713+nightly
codegen_flags: <defaults>
</compile_context>

<pallas_src>
import functools

import jax
import jax.numpy as jnp
from jax import lax
from jax.experimental import pallas as pl
from jax.experimental.pallas import tpu as pltpu
from jax.experimental.pallas import tpu_sc as plsc

N = 10000
F = 128
E = 320000

NPAD = 10240
NC = 2
NS = 16
NW = NC * NS
CHUNK = 128
EPAD = 327680
EPW = EPAD // NW
NCHUNK = EPW // CHUNK
ROWS_PER_TILE = NPAD // NS

_mesh = plsc.VectorSubcoreMesh(core_axis_name="c", subcore_axis_name="s")


@functools.partial(
    pl.kernel,
    out_type=jax.ShapeDtypeStruct((NC, NPAD), jnp.float32),
    mesh=_mesh,
    scratch_types=[
        pltpu.VMEM((NCHUNK, CHUNK), jnp.int32),
        pltpu.VMEM((CHUNK,), jnp.float32),
        pltpu.VMEM_SHARED((NPAD,), jnp.float32),
    ],
)
def _sc_degree(dst_hbm, zeros_hbm, ones_hbm, out_hbm, idx_v, ones_v, deg_sh):
    cid = lax.axis_index("c")
    sid = lax.axis_index("s")
    wid = sid * NC + cid
    row0 = sid * ROWS_PER_TILE
    pltpu.sync_copy(dst_hbm.at[wid], idx_v)
    pltpu.sync_copy(zeros_hbm.at[pl.ds(row0, ROWS_PER_TILE)],
                    deg_sh.at[pl.ds(row0, ROWS_PER_TILE)])
    pltpu.sync_copy(ones_hbm, ones_v)
    plsc.subcore_barrier()

    def body(j, carry):
        pltpu.sync_copy(ones_v, deg_sh.at[idx_v.at[j]], add=True)
        return carry

    lax.fori_loop(0, NCHUNK, body, 0)
    plsc.subcore_barrier()
    pltpu.sync_copy(
        deg_sh.at[pl.ds(row0, ROWS_PER_TILE)],
        out_hbm.at[cid, pl.ds(row0, ROWS_PER_TILE)],
    )


@functools.partial(
    pl.kernel,
    out_type=jax.ShapeDtypeStruct((NC, NPAD, F), jnp.float32),
    mesh=_mesh,
    scratch_types=[
        pltpu.VMEM((NCHUNK, CHUNK), jnp.int32),
        pltpu.VMEM((2, CHUNK), jnp.int32),
        pltpu.VMEM((2, CHUNK, F), jnp.float32),
        pltpu.VMEM_SHARED((NPAD, F), jnp.float32),
        pltpu.SemaphoreType.DMA((2,)),
        pltpu.SemaphoreType.DMA((2,)),
    ],
)
def _sc_scatter(src_hbm, dst_hbm, z_hbm, zrows_hbm, out_hbm,
                src_v, dst_v, rows_v, y_sh, sems, semd):
    cid = lax.axis_index("c")
    sid = lax.axis_index("s")
    wid = sid * NC + cid
    row0 = sid * ROWS_PER_TILE
    pltpu.sync_copy(src_hbm.at[wid], src_v)
    pltpu.sync_copy(zrows_hbm.at[pl.ds(row0, ROWS_PER_TILE)],
                    y_sh.at[pl.ds(row0, ROWS_PER_TILE)])
    plsc.subcore_barrier()
    pltpu.async_copy(z_hbm.at[src_v.at[0]], rows_v.at[0], sems.at[0])
    pltpu.async_copy(dst_hbm.at[wid, 0], dst_v.at[0], semd.at[0])

    def body(j, carry):
        slot = lax.rem(j, 2)
        nslot = lax.rem(j + 1, 2)

        @pl.when(j + 1 < NCHUNK)
        def _start_next():
            pltpu.async_copy(
                z_hbm.at[src_v.at[j + 1]], rows_v.at[nslot], sems.at[nslot])
            pltpu.async_copy(
                dst_hbm.at[wid, j + 1], dst_v.at[nslot], semd.at[nslot])

        pltpu.make_async_copy(
            z_hbm.at[src_v.at[j]], rows_v.at[slot], sems.at[slot]).wait()
        pltpu.make_async_copy(
            dst_hbm.at[wid, j], dst_v.at[slot], semd.at[slot]).wait()
        pltpu.sync_copy(rows_v.at[slot], y_sh.at[dst_v.at[slot]], add=True)
        return carry

    lax.fori_loop(0, NCHUNK, body, 0)
    plsc.subcore_barrier()
    pltpu.sync_copy(
        y_sh.at[pl.ds(row0, ROWS_PER_TILE)],
        out_hbm.at[cid, pl.ds(row0, ROWS_PER_TILE)],
    )


BM = 2048


def _tc0_body(x_ref, w_ref, xw_ref):
    xw_ref[...] = jnp.dot(
        x_ref[...], w_ref[...], preferred_element_type=jnp.float32)


def _tc0(x, w1):
    return pl.pallas_call(
        _tc0_body,
        grid=(NPAD // BM,),
        in_specs=[
            pl.BlockSpec((BM, F), lambda i: (i, 0)),
            pl.BlockSpec((F, F), lambda i: (0, 0)),
        ],
        out_specs=pl.BlockSpec((BM, F), lambda i: (i, 0)),
        out_shape=jax.ShapeDtypeStruct((NPAD, F), jnp.float32),
    )(x, w1)


def _tc1_body(xw_ref, d0_ref, d1_ref, z_ref, dis_ref):
    deg = d0_ref[...] + d1_ref[...] + 1.0
    dis = lax.rsqrt(deg)
    z_ref[...] = xw_ref[...] * dis
    dis_ref[...] = dis


def _tc1(xw, d0, d1):
    return pl.pallas_call(
        _tc1_body,
        grid=(NPAD // BM,),
        in_specs=[
            pl.BlockSpec((BM, F), lambda i: (i, 0)),
            pl.BlockSpec((BM, 1), lambda i: (i, 0)),
            pl.BlockSpec((BM, 1), lambda i: (i, 0)),
        ],
        out_specs=[
            pl.BlockSpec((BM, F), lambda i: (i, 0)),
            pl.BlockSpec((BM, 1), lambda i: (i, 0)),
        ],
        out_shape=[
            jax.ShapeDtypeStruct((NPAD, F), jnp.float32),
            jax.ShapeDtypeStruct((NPAD, 1), jnp.float32),
        ],
    )(xw, d0, d1)


def _tc2_body(y0_ref, y1_ref, z1_ref, dis_ref, b1_ref, w2_ref, z2_ref):
    dis = dis_ref[...]
    h = dis * (y0_ref[...] + y1_ref[...] + z1_ref[...]) + b1_ref[...]
    h = jnp.maximum(h, 0.0)
    z2_ref[...] = jnp.dot(h, w2_ref[...], preferred_element_type=jnp.float32) * dis


def _tc2(y0, y1, z1, dis, b1, w2):
    return pl.pallas_call(
        _tc2_body,
        grid=(NPAD // BM,),
        in_specs=[
            pl.BlockSpec((BM, F), lambda i: (i, 0)),
            pl.BlockSpec((BM, F), lambda i: (i, 0)),
            pl.BlockSpec((BM, F), lambda i: (i, 0)),
            pl.BlockSpec((BM, 1), lambda i: (i, 0)),
            pl.BlockSpec((1, F), lambda i: (0, 0)),
            pl.BlockSpec((F, F), lambda i: (0, 0)),
        ],
        out_specs=pl.BlockSpec((BM, F), lambda i: (i, 0)),
        out_shape=jax.ShapeDtypeStruct((NPAD, F), jnp.float32),
    )(y0, y1, z1, dis, b1, w2)


def _tc3_body(y0_ref, y1_ref, z2_ref, dis_ref, b2_ref, out_ref):
    o = dis_ref[...] * (y0_ref[...] + y1_ref[...] + z2_ref[...]) + b2_ref[...]
    out_ref[...] = jnp.maximum(o, 0.0)


def _tc3(y0, y1, z2, dis, b2):
    return pl.pallas_call(
        _tc3_body,
        grid=(NPAD // BM,),
        in_specs=[
            pl.BlockSpec((BM, F), lambda i: (i, 0)),
            pl.BlockSpec((BM, F), lambda i: (i, 0)),
            pl.BlockSpec((BM, F), lambda i: (i, 0)),
            pl.BlockSpec((BM, 1), lambda i: (i, 0)),
            pl.BlockSpec((1, F), lambda i: (0, 0)),
        ],
        out_specs=pl.BlockSpec((BM, F), lambda i: (i, 0)),
        out_shape=jax.ShapeDtypeStruct((NPAD, F), jnp.float32),
    )(y0, y1, z2, dis, b2)


@jax.jit
def kernel(x, edge_index, W1, b1, W2, b2):
    src = edge_index[0].astype(jnp.int32)
    dst = edge_index[1].astype(jnp.int32)
    pad_src = jnp.arange(EPAD - E, dtype=jnp.int32) % N
    pad_dst = jnp.full((EPAD - E,), N, dtype=jnp.int32)
    src_p = jnp.concatenate([src, pad_src]).reshape(NW, NCHUNK, CHUNK)
    dst_p = jnp.concatenate([dst, pad_dst]).reshape(NW, NCHUNK, CHUNK)
    x_p = jnp.pad(x, ((0, NPAD - N), (0, 0)))

    zeros_n = jnp.zeros((NPAD,), jnp.float32)
    ones_chunk = jnp.ones((CHUNK,), jnp.float32)
    zeros_rows = jnp.zeros((NPAD, F), jnp.float32)

    xw = _tc0(x_p, W1)
    deg = _sc_degree(dst_p, zeros_n, ones_chunk)
    d0 = deg[0].reshape(NPAD, 1)
    d1 = deg[1].reshape(NPAD, 1)

    z1, dis = _tc1(xw, d0, d1)
    y1 = _sc_scatter(src_p, dst_p, z1, zeros_rows)
    z2 = _tc2(y1[0], y1[1], z1, dis, b1.reshape(1, F), W2)
    y2 = _sc_scatter(src_p, dst_p, z2, zeros_rows)
    out = _tc3(y2[0], y2[1], z2, dis, b2.reshape(1, F))
    return out[:N]

# --- scband reference (transcript-rebuilt; emitter-appended) ---
"""Pipeline reference for scband-attribute-decoder-6141803233544 (READ-ONLY COPY).

The authoritative reference and input builder live on the scoring server;
editing this copy changes nothing except your own understanding.
"""

import jax, jax.numpy as jnp
import numpy as np

N = 10000
E = 320000
NHID = 128
NFEAT = 128


def setup_inputs(seed: int = 0) -> dict:
    key = jax.random.key(seed)
    k1, k2, k3, k4, k5, k6 = jax.random.split(key, 6)
    x = jax.random.normal(k1, (N, NHID), dtype=jnp.float32)
    edge_index = jax.random.randint(k2, (2, E), 0, N)
    # GCNConv params: glorot-style weight, zero bias (PyG default: lin has no bias,
    # conv-level bias applied after aggregation)
    s1 = float(np.sqrt(6.0 / (NHID + NHID)))
    s2 = float(np.sqrt(6.0 / (NHID + NFEAT)))
    W1 = jax.random.uniform(k3, (NHID, NHID), dtype=jnp.float32, minval=-s1, maxval=s1)
    b1 = jnp.zeros((NHID,), dtype=jnp.float32)
    W2 = jax.random.uniform(k4, (NHID, NFEAT), dtype=jnp.float32, minval=-s2, maxval=s2)
    b2 = jnp.zeros((NFEAT,), dtype=jnp.float32)
    return {"x": x, "edge_index": edge_index, "W1": W1, "b1": b1, "W2": W2, "b2": b2}


def _gcn_conv(x, edge_index, W, b):
    # Faithful to PyG GCNConv with add_self_loops=True, normalize=True, aggr='add'
    src = edge_index[0]
    dst = edge_index[1]
    loop = jnp.arange(N, dtype=src.dtype)
    src = jnp.concatenate([src, loop])
    dst = jnp.concatenate([dst, loop])
    deg = jnp.zeros((N,), x.dtype).at[dst].add(1.0)
    deg_inv_sqrt = jnp.where(deg > 0, jax.lax.rsqrt(jnp.maximum(deg, 1e-12)), 0.0)
    norm = deg_inv_sqrt[src] * deg_inv_sqrt[dst]
    xw = x @ W
    msg = xw[src] * norm[:, None]
    out = jnp.zeros((N, W.shape[1]), x.dtype).at[dst].add(msg)
    return out + b


def reference(x, edge_index, W1, b1, W2, b2):
    h = jax.nn.relu(_gcn_conv(x, edge_index, W1, b1))
    # F.dropout with training=False (eval mode) is identity
    out = jax.nn.relu(_gcn_conv(h, edge_index, W2, b2))
    return out

if __name__ == "__main__":
    import jax
    _d = setup_inputs()
    print(jax.jit(kernel)(*tuple(_d.values())))

</pallas_src>

<mosaic_0001>
#map = affine_map<(d0, d1) -> (0, 0, 0)>
#map1 = affine_map<(d0, d1) -> (0, 0)>
module attributes {stable_mosaic.version = 14 : i64} {
  func.func @_sc_scatter(%arg0: i32, %arg1: i32, %arg2: memref<32x80x128xi32, #tpu.memory_space<hbm>>, %arg3: memref<32x80x128xi32, #tpu.memory_space<hbm>>, %arg4: memref<10240x128xf32, #tpu.memory_space<hbm>>, %arg5: memref<10240x128xf32, #tpu.memory_space<hbm>>, %arg6: memref<2x10240x128xf32, #tpu.memory_space<hbm>>, %arg7: memref<80x128xi32, #tpu.memory_space<vmem>>, %arg8: memref<2x128xi32, #tpu.memory_space<vmem>>, %arg9: memref<2x128x128xf32, #tpu.memory_space<vmem>>, %arg10: memref<10240x128xf32, #tpu.memory_space<vmem_shared>>, %arg11: memref<2x!tpu.dma_semaphore, #tpu.memory_space<semaphore_mem>>, %arg12: memref<2x!tpu.dma_semaphore, #tpu.memory_space<semaphore_mem>>) attributes {dimension_semantics = [#tpu.dimension_semantics<core_parallel>, #tpu.dimension_semantics<subcore_parallel>], iteration_bounds = array<i64: 2, 16>, scalar_prefetch = 0 : i64, scratch_operands = 6 : i64, tpu.core_type = #tpu.core_type<sc_vector_subcore>, window_params = [{transform_indices = #map}, {transform_indices = #map}, {transform_indices = #map1}, {transform_indices = #map1}, {transform_indices = #map}]} {
    %mul3A = arith.constant 2 : i32
    %mul3A_0 = arith.muli %arg1, %mul3A : i32
    %add3A = arith.addi %mul3A_0, %arg0 : i32
    %mul3A_1 = arith.constant 640 : i32
    %mul3A_2 = arith.muli %arg1, %mul3A_1 : i32
    "tpu.region"() ({
      %run_scoped3A = tpu.sem_alloc : memref<!tpu.dma_semaphore, #tpu.memory_space<semaphore_mem>>
      %dma_start3A_40 = arith.constant 0 : i32
      %dma_start3A_41 = arith.constant 0 : i32
      %dma_start3A_42 = tpu.memref_slice %arg2[%add3A, %dma_start3A_40, %dma_start3A_41] : memref<32x80x128xi32, #tpu.memory_space<hbm>> -> memref<1x80x128xi32, #tpu.memory_space<hbm>>
      %dma_start3A_43 = tpu.memref_squeeze %dma_start3A_42 : memref<1x80x128xi32, #tpu.memory_space<hbm>> -> memref<80x128xi32, #tpu.memory_space<hbm>>
      %dma_start3A_44 = arith.constant 0 : i32
      %dma_start3A_45 = arith.constant 0 : i32
      %dma_start3A_46 = tpu.memref_slice %arg2[%add3A, %dma_start3A_44, %dma_start3A_45] : memref<32x80x128xi32, #tpu.memory_space<hbm>> -> memref<1x80x128xi32, #tpu.memory_space<hbm>>
      %dma_start3A_47 = tpu.memref_squeeze %dma_start3A_46 : memref<1x80x128xi32, #tpu.memory_space<hbm>> -> memref<80x128xi32, #tpu.memory_space<hbm>>
      tpu.enqueue_dma source(%dma_start3A_47 : memref<80x128xi32, #tpu.memory_space<hbm>>) target(%arg7 : memref<80x128xi32, #tpu.memory_space<vmem>>) target_semaphore(%run_scoped3A : memref<!tpu.dma_semaphore, #tpu.memory_space<semaphore_mem>>)
      %dma_wait3A = arith.constant 0 : i32
      %dma_wait3A_48 = arith.constant 0 : i32
      %dma_wait3A_49 = tpu.memref_slice %arg2[%add3A, %dma_wait3A, %dma_wait3A_48] : memref<32x80x128xi32, #tpu.memory_space<hbm>> -> memref<1x80x128xi32, #tpu.memory_space<hbm>>
      %dma_wait3A_50 = tpu.memref_squeeze %dma_wait3A_49 : memref<1x80x128xi32, #tpu.memory_space<hbm>> -> memref<80x128xi32, #tpu.memory_space<hbm>>
      %dma_wait3A_51 = arith.constant 0 : i32
      %dma_wait3A_52 = arith.constant 0 : i32
      %dma_wait3A_53 = tpu.memref_slice %arg2[%add3A, %dma_wait3A_51, %dma_wait3A_52] : memref<32x80x128xi32, #tpu.memory_space<hbm>> -> memref<1x80x128xi32, #tpu.memory_space<hbm>>
      %dma_wait3A_54 = tpu.memref_squeeze %dma_wait3A_53 : memref<1x80x128xi32, #tpu.memory_space<hbm>> -> memref<80x128xi32, #tpu.memory_space<hbm>>
      tpu.wait_dma2 semaphore(%run_scoped3A : memref<!tpu.dma_semaphore, #tpu.memory_space<semaphore_mem>>) src(%dma_wait3A_54 : memref<80x128xi32, #tpu.memory_space<hbm>>) dst(%arg7 : memref<80x128xi32, #tpu.memory_space<vmem>>)
      tpu.yield
    }) : () -> ()
    "tpu.region"() ({
      %run_scoped3A = tpu.sem_alloc : memref<!tpu.dma_semaphore, #tpu.memory_space<semaphore_mem>>
      %dma_start3A_40 = arith.constant 0 : i32
      %dma_start3A_41 = tpu.memref_slice %arg10[%mul3A_2, %dma_start3A_40] : memref<10240x128xf32, #tpu.memory_space<vmem_shared>> -> memref<640x128xf32, #tpu.memory_space<vmem_shared>>
      %dma_start3A_42 = arith.constant 0 : i32
      %dma_start3A_43 = tpu.memref_slice %arg5[%mul3A_2, %dma_start3A_42] : memref<10240x128xf32, #tpu.memory_space<hbm>> -> memref<640x128xf32, #tpu.memory_space<hbm>>
      tpu.enqueue_dma source(%dma_start3A_43 : memref<640x128xf32, #tpu.memory_space<hbm>>) target(%dma_start3A_41 : memref<640x128xf32, #tpu.memory_space<vmem_shared>>) target_semaphore(%run_scoped3A : memref<!tpu.dma_semaphore, #tpu.memory_space<semaphore_mem>>)
      %dma_wait3A = arith.constant 0 : i32
      %dma_wait3A_44 = tpu.memref_slice %arg10[%mul3A_2, %dma_wait3A] : memref<10240x128xf32, #tpu.memory_space<vmem_shared>> -> memref<640x128xf32, #tpu.memory_space<vmem_shared>>
      %dma_wait3A_45 = arith.constant 0 : i32
      %dma_wait3A_46 = tpu.memref_slice %arg5[%mul3A_2, %dma_wait3A_45] : memref<10240x128xf32, #tpu.memory_space<hbm>> -> memref<640x128xf32, #tpu.memory_space<hbm>>
      tpu.wait_dma2 semaphore(%run_scoped3A : memref<!tpu.dma_semaphore, #tpu.memory_space<semaphore_mem>>) src(%dma_wait3A_46 : memref<640x128xf32, #tpu.memory_space<hbm>>) dst(%dma_wait3A_44 : memref<640x128xf32, #tpu.memory_space<vmem_shared>>)
      tpu.yield
    }) : () -> ()
    %barrier3A = arith.constant 0 : index
    tpu.barrier barrier_id(%barrier3A)
    %dma_start3A = arith.constant 0 : i32
    %dma_start3A_3 = arith.constant 0 : i32
    %dma_start3A_4 = arith.constant 0 : i32
    %dma_start3A_5 = arith.constant 0 : i32
    %dma_start3A_6 = arith.constant 0 : i32
    %dma_start3A_7 = tpu.memref_slice %arg9[%dma_start3A_3, %dma_start3A_5, %dma_start3A_6] : memref<2x128x128xf32, #tpu.memory_space<vmem>> -> memref<1x128x128xf32, #tpu.memory_space<vmem>>
    %dma_start3A_8 = tpu.memref_squeeze %dma_start3A_7 : memref<1x128x128xf32, #tpu.memory_space<vmem>> -> memref<128x128xf32, #tpu.memory_space<vmem>>
    %dma_start3A_9 = arith.constant 0 : i32
    %dma_start3A_10 = tpu.memref_slice %arg7[%dma_start3A, %dma_start3A_9] : memref<80x128xi32, #tpu.memory_space<vmem>> -> memref<1x128xi32, #tpu.memory_space<vmem>>
    %dma_start3A_11 = tpu.memref_squeeze %dma_start3A_10 : memref<1x128xi32, #tpu.memory_space<vmem>> -> memref<128xi32, #tpu.memory_space<vmem>>
    %dma_start3A_12 = arith.constant 0 : i32
    %dma_start3A_13 = arith.constant 0 : i32
    %dma_start3A_14 = tpu.memref_slice %arg4[%dma_start3A_12, %dma_start3A_13] : memref<10240x128xf32, #tpu.memory_space<hbm>> -> memref<10240x128xf32, #tpu.memory_space<hbm>>
    %dma_start3A_15 = tpu.memref_slice %arg11[%dma_start3A_4] : memref<2x!tpu.dma_semaphore, #tpu.memory_space<semaphore_mem>> -> memref<1x!tpu.dma_semaphore, #tpu.memory_space<semaphore_mem>>
    %dma_start3A_16 = tpu.memref_squeeze %dma_start3A_15 : memref<1x!tpu.dma_semaphore, #tpu.memory_space<semaphore_mem>> -> memref<!tpu.dma_semaphore, #tpu.memory_space<semaphore_mem>>
    tpu.enqueue_indirect_dma source(%dma_start3A_14 : memref<10240x128xf32, #tpu.memory_space<hbm>>) target(%dma_start3A_8 : memref<128x128xf32, #tpu.memory_space<vmem>>) offsets(%dma_start3A_11 : memref<128xi32, #tpu.memory_space<vmem>>) semaphore(%dma_start3A_16 : memref<!tpu.dma_semaphore, #tpu.memory_space<semaphore_mem>>)
    %dma_start3A_17 = arith.constant 0 : i32
    %dma_start3A_18 = arith.constant 0 : i32
    %dma_start3A_19 = arith.constant 0 : i32
    %dma_start3A_20 = arith.constant 0 : i32
    %dma_start3A_21 = tpu.memref_slice %arg8[%dma_start3A_18, %dma_start3A_20] : memref<2x128xi32, #tpu.memory_space<vmem>> -> memref<1x128xi32, #tpu.memory_space<vmem>>
    %dma_start3A_22 = tpu.memref_squeeze %dma_start3A_21 : memref<1x128xi32, #tpu.memory_space<vmem>> -> memref<128xi32, #tpu.memory_space<vmem>>
    %dma_start3A_23 = arith.constant 0 : i32
    %dma_start3A_24 = tpu.memref_slice %arg3[%add3A, %dma_start3A_17, %dma_start3A_23] : memref<32x80x128xi32, #tpu.memory_space<hbm>> -> memref<1x1x128xi32, #tpu.memory_space<hbm>>
    %dma_start3A_25 = tpu.memref_squeeze %dma_start3A_24 : memref<1x1x128xi32, #tpu.memory_space<hbm>> -> memref<128xi32, #tpu.memory_space<hbm>>
    %dma_start3A_26 = tpu.memref_slice %arg12[%dma_start3A_19] : memref<2x!tpu.dma_semaphore, #tpu.memory_space<semaphore_mem>> -> memref<1x!tpu.dma_semaphore, #tpu.memory_space<semaphore_mem>>
    %dma_start3A_27 = tpu.memref_squeeze %dma_start3A_26 : memref<1x!tpu.dma_semaphore, #tpu.memory_space<semaphore_mem>> -> memref<!tpu.dma_semaphore, #tpu.memory_space<semaphore_mem>>
    %dma_start3A_28 = arith.constant 0 : i32
    %dma_start3A_29 = tpu.memref_slice %arg8[%dma_start3A_18, %dma_start3A_28] : memref<2x128xi32, #tpu.memory_space<vmem>> -> memref<1x128xi32, #tpu.memory_space<vmem>>
    %dma_start3A_30 = tpu.memref_squeeze %dma_start3A_29 : memref<1x128xi32, #tpu.memory_space<vmem>> -> memref<128xi32, #tpu.memory_space<vmem>>
    %dma_start3A_31 = arith.constant 0 : i32
    %dma_start3A_32 = tpu.memref_slice %arg3[%add3A, %dma_start3A_17, %dma_start3A_31] : memref<32x80x128xi32, #tpu.memory_space<hbm>> -> memref<1x1x128xi32, #tpu.memory_space<hbm>>
    %dma_start3A_33 = tpu.memref_squeeze %dma_start3A_32 : memref<1x1x128xi32, #tpu.memory_space<hbm>> -> memref<128xi32, #tpu.memory_space<hbm>>
    tpu.enqueue_dma source(%dma_start3A_33 : memref<128xi32, #tpu.memory_space<hbm>>) target(%dma_start3A_30 : memref<128xi32, #tpu.memory_space<vmem>>) target_semaphore(%dma_start3A_27 : memref<!tpu.dma_semaphore, #tpu.memory_space<semaphore_mem>>)
    %scan3A = arith.constant 0 : i32
    %scan3A_34 = arith.constant 0 : i32
    %scan3A_35 = arith.constant 80 : i32
    %scan3A_36 = arith.addi %scan3A_34, %scan3A_35 : i32
    %scan3A_37 = arith.constant 1 : i32
    scf.for %scan3A_40 = %scan3A_34 to %scan3A_36 step %scan3A_37  : i32 {
      %rem3A = arith.constant 2 : i32
      %rem3A_41 = arith.remsi %scan3A_40, %rem3A : i32
      %add3A_42 = arith.constant 1 : i32
      %add3A_43 = arith.addi %scan3A_40, %add3A_42 : i32
      %rem3A_44 = arith.constant 2 : i32
      %rem3A_45 = arith.remsi %add3A_43, %rem3A_44 : i32
      %add3A_46 = arith.constant 1 : i32
      %add3A_47 = arith.addi %scan3A_40, %add3A_46 : i32
      %lt3A = arith.constant 80 : i32
      %lt3A_48 = arith.cmpi slt, %add3A_47, %lt3A : i32
      %convert_element_type3A = arith.extui %lt3A_48 : i1 to i32
      %cond3A = arith.constant 0 : i32
      %cond3A_49 = arith.cmpi ne, %convert_element_type3A, %cond3A : i32
      scf.if %cond3A_49 {
        %add3A_75 = arith.constant 1 : i32
        %add3A_76 = arith.addi %scan3A_40, %add3A_75 : i32
        %dma_start3A_77 = arith.constant 0 : i32
        %dma_start3A_78 = arith.constant 0 : i32
        %dma_start3A_79 = tpu.memref_slice %arg9[%rem3A_45, %dma_start3A_77, %dma_start3A_78] : memref<2x128x128xf32, #tpu.memory_space<vmem>> -> memref<1x128x128xf32, #tpu.memory_space<vmem>>
        %dma_start3A_80 = tpu.memref_squeeze %dma_start3A_79 : memref<1x128x128xf32, #tpu.memory_space<vmem>> -> memref<128x128xf32, #tpu.memory_space<vmem>>
        %dma_start3A_81 = arith.constant 0 : i32
        %dma_start3A_82 = tpu.memref_slice %arg7[%add3A_76, %dma_start3A_81] : memref<80x128xi32, #tpu.memory_space<vmem>> -> memref<1x128xi32, #tpu.memory_space<vmem>>
        %dma_start3A_83 = tpu.memref_squeeze %dma_start3A_82 : memref<1x128xi32, #tpu.memory_space<vmem>> -> memref<128xi32, #tpu.memory_space<vmem>>
        %dma_start3A_84 = arith.constant 0 : i32
        %dma_start3A_85 = arith.constant 0 : i32
        %dma_start3A_86 = tpu.memref_slice %arg4[%dma_start3A_84, %dma_start3A_85] : memref<10240x128xf32, #tpu.memory_space<hbm>> -> memref<10240x128xf32, #tpu.memory_space<hbm>>
        %dma_start3A_87 = tpu.memref_slice %arg11[%rem3A_45] : memref<2x!tpu.dma_semaphore, #tpu.memory_space<semaphore_mem>> -> memref<1x!tpu.dma_semaphore, #tpu.memory_space<semaphore_mem>>
        %dma_start3A_88 = tpu.memref_squeeze %dma_start3A_87 : memref<1x!tpu.dma_semaphore, #tpu.memory_space<semaphore_mem>> -> memref<!tpu.dma_semaphore, #tpu.memory_space<semaphore_mem>>
        tpu.enqueue_indirect_dma source(%dma_start3A_86 : memref<10240x128xf32, #tpu.memory_space<hbm>>) target(%dma_start3A_80 : memref<128x128xf32, #tpu.memory_space<vmem>>) offsets(%dma_start3A_83 : memref<128xi32, #tpu.memory_space<vmem>>) semaphore(%dma_start3A_88 : memref<!tpu.dma_semaphore, #tpu.memory_space<semaphore_mem>>)
        %add3A_89 = arith.constant 1 : i32
        %add3A_90 = arith.addi %scan3A_40, %add3A_89 : i32
        %dma_start3A_91 = arith.constant 0 : i32
        %dma_start3A_92 = tpu.memref_slice %arg8[%rem3A_45, %dma_start3A_91] : memref<2x128xi32, #tpu.memory_space<vmem>> -> memref<1x128xi32, #tpu.memory_space<vmem>>
        %dma_start3A_93 = tpu.memref_squeeze %dma_start3A_92 : memref<1x128xi32, #tpu.memory_space<vmem>> -> memref<128xi32, #tpu.memory_space<vmem>>
        %dma_start3A_94 = arith.constant 0 : i32
        %dma_start3A_95 = tpu.memref_slice %arg3[%add3A, %add3A_90, %dma_start3A_94] : memref<32x80x128xi32, #tpu.memory_space<hbm>> -> memref<1x1x128xi32, #tpu.memory_space<hbm>>
        %dma_start3A_96 = tpu.memref_squeeze %dma_start3A_95 : memref<1x1x128xi32, #tpu.memory_space<hbm>> -> memref<128xi32, #tpu.memory_space<hbm>>
        %dma_start3A_97 = tpu.memref_slice %arg12[%rem3A_45] : memref<2x!tpu.dma_semaphore, #tpu.memory_space<semaphore_mem>> -> memref<1x!tpu.dma_semaphore, #tpu.memory_space<semaphore_mem>>
        %dma_start3A_98 = tpu.memref_squeeze %dma_start3A_97 : memref<1x!tpu.dma_semaphore, #tpu.memory_space<semaphore_mem>> -> memref<!tpu.dma_semaphore, #tpu.memory_space<semaphore_mem>>
        %dma_start3A_99 = arith.constant 0 : i32
        %dma_start3A_100 = tpu.memref_slice %arg8[%rem3A_45, %dma_start3A_99] : memref<2x128xi32, #tpu.memory_space<vmem>> -> memref<1x128xi32, #tpu.memory_space<vmem>>
        %dma_start3A_101 = tpu.memref_squeeze %dma_start3A_100 : memref<1x128xi32, #tpu.memory_space<vmem>> -> memref<128xi32, #tpu.memory_space<vmem>>
        %dma_start3A_102 = arith.constant 0 : i32
        %dma_start3A_103 = tpu.memref_slice %arg3[%add3A, %add3A_90, %dma_start3A_102] : memref<32x80x128xi32, #tpu.memory_space<hbm>> -> memref<1x1x128xi32, #tpu.memory_space<hbm>>
        %dma_start3A_104 = tpu.memref_squeeze %dma_start3A_103 : memref<1x1x128xi32, #tpu.memory_space<hbm>> -> memref<128xi32, #tpu.memory_space<hbm>>
        tpu.enqueue_dma source(%dma_start3A_104 : memref<128xi32, #tpu.memory_space<hbm>>) target(%dma_start3A_101 : memref<128xi32, #tpu.memory_space<vmem>>) target_semaphore(%dma_start3A_98 : memref<!tpu.dma_semaphore, #tpu.memory_space<semaphore_mem>>)
      } else {
      }
      %dma_wait3A = arith.constant 0 : i32
      %dma_wait3A_50 = arith.constant 0 : i32
      %dma_wait3A_51 = tpu.memref_slice %arg9[%rem3A_41, %dma_wait3A, %dma_wait3A_50] : memref<2x128x128xf32, #tpu.memory_space<vmem>> -> memref<1x128x128xf32, #tpu.memory_space<vmem>>
      %dma_wait3A_52 = tpu.memref_squeeze %dma_wait3A_51 : memref<1x128x128xf32, #tpu.memory_space<vmem>> -> memref<128x128xf32, #tpu.memory_space<vmem>>
      %dma_wait3A_53 = arith.constant 0 : i32
      %dma_wait3A_54 = tpu.memref_slice %arg7[%scan3A_40, %dma_wait3A_53] : memref<80x128xi32, #tpu.memory_space<vmem>> -> memref<1x128xi32, #tpu.memory_space<vmem>>
      %dma_wait3A_55 = tpu.memref_squeeze %dma_wait3A_54 : memref<1x128xi32, #tpu.memory_space<vmem>> -> memref<128xi32, #tpu.memory_space<vmem>>
      %dma_wait3A_56 = arith.constant 0 : i32
      %dma_wait3A_57 = arith.constant 0 : i32
      %dma_wait3A_58 = tpu.memref_slice %arg4[%dma_wait3A_56, %dma_wait3A_57] : memref<10240x128xf32, #tpu.memory_space<hbm>> -> memref<10240x128xf32, #tpu.memory_space<hbm>>
      %dma_wait3A_59 = tpu.memref_slice %arg11[%rem3A_41] : memref<2x!tpu.dma_semaphore, #tpu.memory_space<semaphore_mem>> -> memref<1x!tpu.dma_semaphore, #tpu.memory_space<semaphore_mem>>
      %dma_wait3A_60 = tpu.memref_squeeze %dma_wait3A_59 : memref<1x!tpu.dma_semaphore, #tpu.memory_space<semaphore_mem>> -> memref<!tpu.dma_semaphore, #tpu.memory_space<semaphore_mem>>
      tpu.wait_indirect_dma semaphore(%dma_wait3A_60 : memref<!tpu.dma_semaphore, #tpu.memory_space<semaphore_mem>>) src(%dma_wait3A_58 : memref<10240x128xf32, #tpu.memory_space<hbm>>) dst(%dma_wait3A_52 : memref<128x128xf32, #tpu.memory_space<vmem>>)
      %dma_wait3A_61 = arith.constant 0 : i32
      %dma_wait3A_62 = tpu.memref_slice %arg8[%rem3A_41, %dma_wait3A_61] : memref<2x128xi32, #tpu.memory_space<vmem>> -> memref<1x128xi32, #tpu.memory_space<vmem>>
      %dma_wait3A_63 = tpu.memref_squeeze %dma_wait3A_62 : memref<1x128xi32, #tpu.memory_space<vmem>> -> memref<128xi32, #tpu.memory_space<vmem>>
      %dma_wait3A_64 = arith.constant 0 : i32
      %dma_wait3A_65 = tpu.memref_slice %arg3[%add3A, %scan3A_40, %dma_wait3A_64] : memref<32x80x128xi32, #tpu.memory_space<hbm>> -> memref<1x1x128xi32, #tpu.memory_space<hbm>>
      %dma_wait3A_66 = tpu.memref_squeeze %dma_wait3A_65 : memref<1x1x128xi32, #tpu.memory_space<hbm>> -> memref<128xi32, #tpu.memory_space<hbm>>
      %dma_wait3A_67 = tpu.memref_slice %arg12[%rem3A_41] : memref<2x!tpu.dma_semaphore, #tpu.memory_space<semaphore_mem>> -> memref<1x!tpu.dma_semaphore, #tpu.memory_space<semaphore_mem>>
      %dma_wait3A_68 = tpu.memref_squeeze %dma_wait3A_67 : memref<1x!tpu.dma_semaphore, #tpu.memory_space<semaphore_mem>> -> memref<!tpu.dma_semaphore, #tpu.memory_space<semaphore_mem>>
      %dma_wait3A_69 = arith.constant 0 : i32
      %dma_wait3A_70 = tpu.memref_slice %arg8[%rem3A_41, %dma_wait3A_69] : memref<2x128xi32, #tpu.memory_space<vmem>> -> memref<1x128xi32, #tpu.memory_space<vmem>>
      %dma_wait3A_71 = tpu.memref_squeeze %dma_wait3A_70 : memref<1x128xi32, #tpu.memory_space<vmem>> -> memref<128xi32, #tpu.memory_space<vmem>>
      %dma_wait3A_72 = arith.constant 0 : i32
      %dma_wait3A_73 = tpu.memref_slice %arg3[%add3A, %scan3A_40, %dma_wait3A_72] : memref<32x80x128xi32, #tpu.memory_space<hbm>> -> memref<1x1x128xi32, #tpu.memory_space<hbm>>
      %dma_wait3A_74 = tpu.memref_squeeze %dma_wait3A_73 : memref<1x1x128xi32, #tpu.memory_space<hbm>> -> memref<128xi32, #tpu.memory_space<hbm>>
      tpu.wait_dma2 semaphore(%dma_wait3A_68 : memref<!tpu.dma_semaphore, #tpu.memory_space<semaphore_mem>>) src(%dma_wait3A_74 : memref<128xi32, #tpu.memory_space<hbm>>) dst(%dma_wait3A_71 : memref<128xi32, #tpu.memory_space<vmem>>)
      "tpu.region"() ({
        %run_scoped3A = tpu.sem_alloc : memref<!tpu.dma_semaphore, #tpu.memory_space<semaphore_mem>>
        %dma_start3A_75 = arith.constant 0 : i32
        %dma_start3A_76 = arith.constant 0 : i32
        %dma_start3A_77 = tpu.memref_slice %arg9[%rem3A_41, %dma_start3A_75, %dma_start3A_76] : memref<2x128x128xf32, #tpu.memory_space<vmem>> -> memref<1x128x128xf32, #tpu.memory_space<vmem>>
        %dma_start3A_78 = tpu.memref_squeeze %dma_start3A_77 : memref<1x128x128xf32, #tpu.memory_space<vmem>> -> memref<128x128xf32, #tpu.memory_space<vmem>>
        %dma_start3A_79 = arith.constant 0 : i32
        %dma_start3A_80 = tpu.memref_slice %arg8[%rem3A_41, %dma_start3A_79] : memref<2x128xi32, #tpu.memory_space<vmem>> -> memref<1x128xi32, #tpu.memory_space<vmem>>
        %dma_start3A_81 = tpu.memref_squeeze %dma_start3A_80 : memref<1x128xi32, #tpu.memory_space<vmem>> -> memref<128xi32, #tpu.memory_space<vmem>>
        %dma_start3A_82 = arith.constant 0 : i32
        %dma_start3A_83 = arith.constant 0 : i32
        %dma_start3A_84 = tpu.memref_slice %arg10[%dma_start3A_82, %dma_start3A_83] : memref<10240x128xf32, #tpu.memory_space<vmem_shared>> -> memref<10240x128xf32, #tpu.memory_space<vmem_shared>>
        tpu.enqueue_indirect_dma source(%dma_start3A_78 : memref<128x128xf32, #tpu.memory_space<vmem>>) target(%dma_start3A_84 : memref<10240x128xf32, #tpu.memory_space<vmem_shared>>) offsets(%dma_start3A_81 : memref<128xi32, #tpu.memory_space<vmem>>) semaphore(%run_scoped3A : memref<!tpu.dma_semaphore, #tpu.memory_space<semaphore_mem>>) {add = true}
        %dma_wait3A_85 = arith.constant 0 : i32
        %dma_wait3A_86 = arith.constant 0 : i32
        %dma_wait3A_87 = tpu.memref_slice %arg9[%rem3A_41, %dma_wait3A_85, %dma_wait3A_86] : memref<2x128x128xf32, #tpu.memory_space<vmem>> -> memref<1x128x128xf32, #tpu.memory_space<vmem>>
        %dma_wait3A_88 = tpu.memref_squeeze %dma_wait3A_87 : memref<1x128x128xf32, #tpu.memory_space<vmem>> -> memref<128x128xf32, #tpu.memory_space<vmem>>
        %dma_wait3A_89 = arith.constant 0 : i32
        %dma_wait3A_90 = tpu.memref_slice %arg8[%rem3A_41, %dma_wait3A_89] : memref<2x128xi32, #tpu.memory_space<vmem>> -> memref<1x128xi32, #tpu.memory_space<vmem>>
        %dma_wait3A_91 = tpu.memref_squeeze %dma_wait3A_90 : memref<1x128xi32, #tpu.memory_space<vmem>> -> memref<128xi32, #tpu.memory_space<vmem>>
        %dma_wait3A_92 = arith.constant 0 : i32
        %dma_wait3A_93 = arith.constant 0 : i32
        %dma_wait3A_94 = tpu.memref_slice %arg10[%dma_wait3A_92, %dma_wait3A_93] : memref<10240x128xf32, #tpu.memory_space<vmem_shared>> -> memref<10240x128xf32, #tpu.memory_space<vmem_shared>>
        tpu.wait_indirect_dma semaphore(%run_scoped3A : memref<!tpu.dma_semaphore, #tpu.memory_space<semaphore_mem>>) src(%dma_wait3A_88 : memref<128x128xf32, #tpu.memory_space<vmem>>) dst(%dma_wait3A_94 : memref<10240x128xf32, #tpu.memory_space<vmem_shared>>)
        tpu.yield
      }) : () -> ()
    }
    %scan3A_38 = arith.constant 80 : i32
    %barrier3A_39 = arith.constant 0 : index
    tpu.barrier barrier_id(%barrier3A_39)
    "tpu.region"() ({
      %run_scoped3A = tpu.sem_alloc : memref<!tpu.dma_semaphore, #tpu.memory_space<semaphore_mem>>
      %dma_start3A_40 = arith.constant 0 : i32
      %dma_start3A_41 = tpu.memref_slice %arg6[%arg0, %mul3A_2, %dma_start3A_40] : memref<2x10240x128xf32, #tpu.memory_space<hbm>> -> memref<1x640x128xf32, #tpu.memory_space<hbm>>
      %dma_start3A_42 = tpu.memref_squeeze %dma_start3A_41 : memref<1x640x128xf32, #tpu.memory_space<hbm>> -> memref<640x128xf32, #tpu.memory_space<hbm>>
      %dma_start3A_43 = arith.constant 0 : i32
      %dma_start3A_44 = tpu.memref_slice %arg10[%mul3A_2, %dma_start3A_43] : memref<10240x128xf32, #tpu.memory_space<vmem_shared>> -> memref<640x128xf32, #tpu.memory_space<vmem_shared>>
      tpu.enqueue_dma source(%dma_start3A_44 : memref<640x128xf32, #tpu.memory_space<vmem_shared>>) target(%dma_start3A_42 : memref<640x128xf32, #tpu.memory_space<hbm>>) target_semaphore(%run_scoped3A : memref<!tpu.dma_semaphore, #tpu.memory_space<semaphore_mem>>)
      %dma_wait3A = arith.constant 0 : i32
      %dma_wait3A_45 = tpu.memref_slice %arg6[%arg0, %mul3A_2, %dma_wait3A] : memref<2x10240x128xf32, #tpu.memory_space<hbm>> -> memref<1x640x128xf32, #tpu.memory_space<hbm>>
      %dma_wait3A_46 = tpu.memref_squeeze %dma_wait3A_45 : memref<1x640x128xf32, #tpu.memory_space<hbm>> -> memref<640x128xf32, #tpu.memory_space<hbm>>
      %dma_wait3A_47 = arith.constant 0 : i32
      %dma_wait3A_48 = tpu.memref_slice %arg10[%mul3A_2, %dma_wait3A_47] : memref<10240x128xf32, #tpu.memory_space<vmem_shared>> -> memref<640x128xf32, #tpu.memory_space<vmem_shared>>
      tpu.wait_dma2 semaphore(%run_scoped3A : memref<!tpu.dma_semaphore, #tpu.memory_space<semaphore_mem>>) src(%dma_wait3A_48 : memref<640x128xf32, #tpu.memory_space<vmem_shared>>) dst(%dma_wait3A_46 : memref<640x128xf32, #tpu.memory_space<hbm>>)
      tpu.yield
    }) : () -> ()
    return
  }
}

#map = affine_map<(d0, d1) -> (0, 0, 0)>
#map1 = affine_map<(d0, d1) -> (0, 0)>
module attributes {stable_mosaic.version = 14 : i64} {
  func.func @_sc_scatter(%arg0: i32, %arg1: i32, %arg2: memref<32x80x128xi32, #tpu.memory_space<hbm>>, %arg3: memref<32x80x128xi32, #tpu.memory_space<hbm>>, %arg4: memref<10240x128xf32, #tpu.memory_space<hbm>>, %arg5: memref<10240x128xf32, #tpu.memory_space<hbm>>, %arg6: memref<2x10240x128xf32, #tpu.memory_space<hbm>>, %arg7: memref<80x128xi32, #tpu.memory_space<vmem>>, %arg8: memref<2x128xi32, #tpu.memory_space<vmem>>, %arg9: memref<2x128x128xf32, #tpu.memory_space<vmem>>, %arg10: memref<10240x128xf32, #tpu.memory_space<vmem_shared>>, %arg11: memref<2x!tpu.dma_semaphore, #tpu.memory_space<semaphore_mem>>, %arg12: memref<2x!tpu.dma_semaphore, #tpu.memory_space<semaphore_mem>>) attributes {dimension_semantics = [#tpu.dimension_semantics<core_parallel>, #tpu.dimension_semantics<subcore_parallel>], iteration_bounds = array<i64: 2, 16>, scalar_prefetch = 0 : i64, scratch_operands = 6 : i64, tpu.core_type = #tpu.core_type<sc_vector_subcore>, window_params = [{transform_indices = #map}, {transform_indices = #map}, {transform_indices = #map1}, {transform_indices = #map1}, {transform_indices = #map}]} {
    %mul3A = arith.constant 2 : i32
    %mul3A_0 = arith.muli %arg1, %mul3A : i32
    %add3A = arith.addi %mul3A_0, %arg0 : i32
    %mul3A_1 = arith.constant 640 : i32
    %mul3A_2 = arith.muli %arg1, %mul3A_1 : i32
    "tpu.region"() ({
      %run_scoped3A = tpu.sem_alloc : memref<!tpu.dma_semaphore, #tpu.memory_space<semaphore_mem>>
      %dma_start3A_40 = arith.constant 0 : i32
      %dma_start3A_41 = arith.constant 0 : i32
      %dma_start3A_42 = tpu.memref_slice %arg2[%add3A, %dma_start3A_40, %dma_start3A_41] : memref<32x80x128xi32, #tpu.memory_space<hbm>> -> memref<1x80x128xi32, #tpu.memory_space<hbm>>
      %dma_start3A_43 = tpu.memref_squeeze %dma_start3A_42 : memref<1x80x128xi32, #tpu.memory_space<hbm>> -> memref<80x128xi32, #tpu.memory_space<hbm>>
      %dma_start3A_44 = arith.constant 0 : i32
      %dma_start3A_45 = arith.constant 0 : i32
      %dma_start3A_46 = tpu.memref_slice %arg2[%add3A, %dma_start3A_44, %dma_start3A_45] : memref<32x80x128xi32, #tpu.memory_space<hbm>> -> memref<1x80x128xi32, #tpu.memory_space<hbm>>
      %dma_start3A_47 = tpu.memref_squeeze %dma_start3A_46 : memref<1x80x128xi32, #tpu.memory_space<hbm>> -> memref<80x128xi32, #tpu.memory_space<hbm>>
      tpu.enqueue_dma source(%dma_start3A_47 : memref<80x128xi32, #tpu.memory_space<hbm>>) target(%arg7 : memref<80x128xi32, #tpu.memory_space<vmem>>) target_semaphore(%run_scoped3A : memref<!tpu.dma_semaphore, #tpu.memory_space<semaphore_mem>>)
      %dma_wait3A = arith.constant 0 : i32
      %dma_wait3A_48 = arith.constant 0 : i32
      %dma_wait3A_49 = tpu.memref_slice %arg2[%add3A, %dma_wait3A, %dma_wait3A_48] : memref<32x80x128xi32, #tpu.memory_space<hbm>> -> memref<1x80x128xi32, #tpu.memory_space<hbm>>
      %dma_wait3A_50 = tpu.memref_squeeze %dma_wait3A_49 : memref<1x80x128xi32, #tpu.memory_space<hbm>> -> memref<80x128xi32, #tpu.memory_space<hbm>>
      %dma_wait3A_51 = arith.constant 0 : i32
      %dma_wait3A_52 = arith.constant 0 : i32
      %dma_wait3A_53 = tpu.memref_slice %arg2[%add3A, %dma_wait3A_51, %dma_wait3A_52] : memref<32x80x128xi32, #tpu.memory_space<hbm>> -> memref<1x80x128xi32, #tpu.memory_space<hbm>>
      %dma_wait3A_54 = tpu.memref_squeeze %dma_wait3A_53 : memref<1x80x128xi32, #tpu.memory_space<hbm>> -> memref<80x128xi32, #tpu.memory_space<hbm>>
      tpu.wait_dma2 semaphore(%run_scoped3A : memref<!tpu.dma_semaphore, #tpu.memory_space<semaphore_mem>>) src(%dma_wait3A_54 : memref<80x128xi32, #tpu.memory_space<hbm>>) dst(%arg7 : memref<80x128xi32, #tpu.memory_space<vmem>>)
      tpu.yield
    }) : () -> ()
    "tpu.region"() ({
      %run_scoped3A = tpu.sem_alloc : memref<!tpu.dma_semaphore, #tpu.memory_space<semaphore_mem>>
      %dma_start3A_40 = arith.constant 0 : i32
      %dma_start3A_41 = tpu.memref_slice %arg10[%mul3A_2, %dma_start3A_40] : memref<10240x128xf32, #tpu.memory_space<vmem_shared>> -> memref<640x128xf32, #tpu.memory_space<vmem_shared>>
      %dma_start3A_42 = arith.constant 0 : i32
      %dma_start3A_43 = tpu.memref_slice %arg5[%mul3A_2, %dma_start3A_42] : memref<10240x128xf32, #tpu.memory_space<hbm>> -> memref<640x128xf32, #tpu.memory_space<hbm>>
      tpu.enqueue_dma source(%dma_start3A_43 : memref<640x128xf32, #tpu.memory_space<hbm>>) target(%dma_start3A_41 : memref<640x128xf32, #tpu.memory_space<vmem_shared>>) target_semaphore(%run_scoped3A : memref<!tpu.dma_semaphore, #tpu.memory_space<semaphore_mem>>)
      %dma_wait3A = arith.constant 0 : i32
      %dma_wait3A_44 = tpu.memref_slice %arg10[%mul3A_2, %dma_wait3A] : memref<10240x128xf32, #tpu.memory_space<vmem_shared>> -> memref<640x128xf32, #tpu.memory_space<vmem_shared>>
      %dma_wait3A_45 = arith.constant 0 : i32
      %dma_wait3A_46 = tpu.memref_slice %arg5[%mul3A_2, %dma_wait3A_45] : memref<10240x128xf32, #tpu.memory_space<hbm>> -> memref<640x128xf32, #tpu.memory_space<hbm>>
      tpu.wait_dma2 semaphore(%run_scoped3A : memref<!tpu.dma_semaphore, #tpu.memory_space<semaphore_mem>>) src(%dma_wait3A_46 : memref<640x128xf32, #tpu.memory_space<hbm>>) dst(%dma_wait3A_44 : memref<640x128xf32, #tpu.memory_space<vmem_shared>>)
      tpu.yield
    }) : () -> ()
    %barrier3A = arith.constant 0 : index
    tpu.barrier barrier_id(%barrier3A)
    %dma_start3A = arith.constant 0 : i32
    %dma_start3A_3 = arith.constant 0 : i32
    %dma_start3A_4 = arith.constant 0 : i32
    %dma_start3A_5 = arith.constant 0 : i32
    %dma_start3A_6 = arith.constant 0 : i32
    %dma_start3A_7 = tpu.memref_slice %arg9[%dma_start3A_3, %dma_start3A_5, %dma_start3A_6] : memref<2x128x128xf32, #tpu.memory_space<vmem>> -> memref<1x128x128xf32, #tpu.memory_space<vmem>>
    %dma_start3A_8 = tpu.memref_squeeze %dma_start3A_7 : memref<1x128x128xf32, #tpu.memory_space<vmem>> -> memref<128x128xf32, #tpu.memory_space<vmem>>
    %dma_start3A_9 = arith.constant 0 : i32
    %dma_start3A_10 = tpu.memref_slice %arg7[%dma_start3A, %dma_start3A_9] : memref<80x128xi32, #tpu.memory_space<vmem>> -> memref<1x128xi32, #tpu.memory_space<vmem>>
    %dma_start3A_11 = tpu.memref_squeeze %dma_start3A_10 : memref<1x128xi32, #tpu.memory_space<vmem>> -> memref<128xi32, #tpu.memory_space<vmem>>
    %dma_start3A_12 = arith.constant 0 : i32
    %dma_start3A_13 = arith.constant 0 : i32
    %dma_start3A_14 = tpu.memref_slice %arg4[%dma_start3A_12, %dma_start3A_13] : memref<10240x128xf32, #tpu.memory_space<hbm>> -> memref<10240x128xf32, #tpu.memory_space<hbm>>
    %dma_start3A_15 = tpu.memref_slice %arg11[%dma_start3A_4] : memref<2x!tpu.dma_semaphore, #tpu.memory_space<semaphore_mem>> -> memref<1x!tpu.dma_semaphore, #tpu.memory_space<semaphore_mem>>
    %dma_start3A_16 = tpu.memref_squeeze %dma_start3A_15 : memref<1x!tpu.dma_semaphore, #tpu.memory_space<semaphore_mem>> -> memref<!tpu.dma_semaphore, #tpu.memory_space<semaphore_mem>>
    tpu.enqueue_indirect_dma source(%dma_start3A_14 : memref<10240x128xf32, #tpu.memory_space<hbm>>) target(%dma_start3A_8 : memref<128x128xf32, #tpu.memory_space<vmem>>) offsets(%dma_start3A_11 : memref<128xi32, #tpu.memory_space<vmem>>) semaphore(%dma_start3A_16 : memref<!tpu.dma_semaphore, #tpu.memory_space<semaphore_mem>>)
    %dma_start3A_17 = arith.constant 0 : i32
    %dma_start3A_18 = arith.constant 0 : i32
    %dma_start3A_19 = arith.constant 0 : i32
    %dma_start3A_20 = arith.constant 0 : i32
    %dma_start3A_21 = tpu.memref_slice %arg8[%dma_start3A_18, %dma_start3A_20] : memref<2x128xi32, #tpu.memory_space<vmem>> -> memref<1x128xi32, #tpu.memory_space<vmem>>
    %dma_start3A_22 = tpu.memref_squeeze %dma_start3A_21 : memref<1x128xi32, #tpu.memory_space<vmem>> -> memref<128xi32, #tpu.memory_space<vmem>>
    %dma_start3A_23 = arith.constant 0 : i32
    %dma_start3A_24 = tpu.memref_slice %arg3[%add3A, %dma_start3A_17, %dma_start3A_23] : memref<32x80x128xi32, #tpu.memory_space<hbm>> -> memref<1x1x128xi32, #tpu.memory_space<hbm>>
    %dma_start3A_25 = tpu.memref_squeeze %dma_start3A_24 : memref<1x1x128xi32, #tpu.memory_space<hbm>> -> memref<128xi32, #tpu.memory_space<hbm>>
    %dma_start3A_26 = tpu.memref_slice %arg12[%dma_start3A_19] : memref<2x!tpu.dma_semaphore, #tpu.memory_space<semaphore_mem>> -> memref<1x!tpu.dma_semaphore, #tpu.memory_space<semaphore_mem>>
    %dma_start3A_27 = tpu.memref_squeeze %dma_start3A_26 : memref<1x!tpu.dma_semaphore, #tpu.memory_space<semaphore_mem>> -> memref<!tpu.dma_semaphore, #tpu.memory_space<semaphore_mem>>
    %dma_start3A_28 = arith.constant 0 : i32
    %dma_start3A_29 = tpu.memref_slice %arg8[%dma_start3A_18, %dma_start3A_28] : memref<2x128xi32, #tpu.memory_space<vmem>> -> memref<1x128xi32, #tpu.memory_space<vmem>>
    %dma_start3A_30 = tpu.memref_squeeze %dma_start3A_29 : memref<1x128xi32, #tpu.memory_space<vmem>> -> memref<128xi32, #tpu.memory_space<vmem>>
    %dma_start3A_31 = arith.constant 0 : i32
    %dma_start3A_32 = tpu.memref_slice %arg3[%add3A, %dma_start3A_17, %dma_start3A_31] : memref<32x80x128xi32, #tpu.memory_space<hbm>> -> memref<1x1x128xi32, #tpu.memory_space<hbm>>
    %dma_start3A_33 = tpu.memref_squeeze %dma_start3A_32 : memref<1x1x128xi32, #tpu.memory_space<hbm>> -> memref<128xi32, #tpu.memory_space<hbm>>
    tpu.enqueue_dma source(%dma_start3A_33 : memref<128xi32, #tpu.memory_space<hbm>>) target(%dma_start3A_30 : memref<128xi32, #tpu.memory_space<vmem>>) target_semaphore(%dma_start3A_27 : memref<!tpu.dma_semaphore, #tpu.memory_space<semaphore_mem>>)
    %scan3A = arith.constant 0 : i32
    %scan3A_34 = arith.constant 0 : i32
    %scan3A_35 = arith.constant 80 : i32
    %scan3A_36 = arith.addi %scan3A_34, %scan3A_35 : i32
    %scan3A_37 = arith.constant 1 : i32
    scf.for %scan3A_40 = %scan3A_34 to %scan3A_36 step %scan3A_37  : i32 {
      %rem3A = arith.constant 2 : i32
      %rem3A_41 = arith.remsi %scan3A_40, %rem3A : i32
      %add3A_42 = arith.constant 1 : i32
      %add3A_43 = arith.addi %scan3A_40, %add3A_42 : i32
      %rem3A_44 = arith.constant 2 : i32
      %rem3A_45 = arith.remsi %add3A_43, %rem3A_44 : i32
      %add3A_46 = arith.constant 1 : i32
      %add3A_47 = arith.addi %scan3A_40, %add3A_46 : i32
      %lt3A = arith.constant 80 : i32
      %lt3A_48 = arith.cmpi slt, %add3A_47, %lt3A : i32
      %convert_element_type3A = arith.extui %lt3A_48 : i1 to i32
      %cond3A = arith.constant 0 : i32
      %cond3A_49 = arith.cmpi ne, %convert_element_type3A, %cond3A : i32
      scf.if %cond3A_49 {
        %add3A_75 = arith.constant 1 : i32
        %add3A_76 = arith.addi %scan3A_40, %add3A_75 : i32
        %dma_start3A_77 = arith.constant 0 : i32
        %dma_start3A_78 = arith.constant 0 : i32
        %dma_start3A_79 = tpu.memref_slice %arg9[%rem3A_45, %dma_start3A_77, %dma_start3A_78] : memref<2x128x128xf32, #tpu.memory_space<vmem>> -> memref<1x128x128xf32, #tpu.memory_space<vmem>>
        %dma_start3A_80 = tpu.memref_squeeze %dma_start3A_79 : memref<1x128x128xf32, #tpu.memory_space<vmem>> -> memref<128x128xf32, #tpu.memory_space<vmem>>
        %dma_start3A_81 = arith.constant 0 : i32
        %dma_start3A_82 = tpu.memref_slice %arg7[%add3A_76, %dma_start3A_81] : memref<80x128xi32, #tpu.memory_space<vmem>> -> memref<1x128xi32, #tpu.memory_space<vmem>>
        %dma_start3A_83 = tpu.memref_squeeze %dma_start3A_82 : memref<1x128xi32, #tpu.memory_space<vmem>> -> memref<128xi32, #tpu.memory_space<vmem>>
        %dma_start3A_84 = arith.constant 0 : i32
        %dma_start3A_85 = arith.constant 0 : i32
        %dma_start3A_86 = tpu.memref_slice %arg4[%dma_start3A_84, %dma_start3A_85] : memref<10240x128xf32, #tpu.memory_space<hbm>> -> memref<10240x128xf32, #tpu.memory_space<hbm>>
        %dma_start3A_87 = tpu.memref_slice %arg11[%rem3A_45] : memref<2x!tpu.dma_semaphore, #tpu.memory_space<semaphore_mem>> -> memref<1x!tpu.dma_semaphore, #tpu.memory_space<semaphore_mem>>
        %dma_start3A_88 = tpu.memref_squeeze %dma_start3A_87 : memref<1x!tpu.dma_semaphore, #tpu.memory_space<semaphore_mem>> -> memref<!tpu.dma_semaphore, #tpu.memory_space<semaphore_mem>>
        tpu.enqueue_indirect_dma source(%dma_start3A_86 : memref<10240x128xf32, #tpu.memory_space<hbm>>) target(%dma_start3A_80 : memref<128x128xf32, #tpu.memory_space<vmem>>) offsets(%dma_start3A_83 : memref<128xi32, #tpu.memory_space<vmem>>) semaphore(%dma_start3A_88 : memref<!tpu.dma_semaphore, #tpu.memory_space<semaphore_mem>>)
        %add3A_89 = arith.constant 1 : i32
        %add3A_90 = arith.addi %scan3A_40, %add3A_89 : i32
        %dma_start3A_91 = arith.constant 0 : i32
        %dma_start3A_92 = tpu.memref_slice %arg8[%rem3A_45, %dma_start3A_91] : memref<2x128xi32, #tpu.memory_space<vmem>> -> memref<1x128xi32, #tpu.memory_space<vmem>>
        %dma_start3A_93 = tpu.memref_squeeze %dma_start3A_92 : memref<1x128xi32, #tpu.memory_space<vmem>> -> memref<128xi32, #tpu.memory_space<vmem>>
        %dma_start3A_94 = arith.constant 0 : i32
        %dma_start3A_95 = tpu.memref_slice %arg3[%add3A, %add3A_90, %dma_start3A_94] : memref<32x80x128xi32, #tpu.memory_space<hbm>> -> memref<1x1x128xi32, #tpu.memory_space<hbm>>
        %dma_start3A_96 = tpu.memref_squeeze %dma_start3A_95 : memref<1x1x128xi32, #tpu.memory_space<hbm>> -> memref<128xi32, #tpu.memory_space<hbm>>
        %dma_start3A_97 = tpu.memref_slice %arg12[%rem3A_45] : memref<2x!tpu.dma_semaphore, #tpu.memory_space<semaphore_mem>> -> memref<1x!tpu.dma_semaphore, #tpu.memory_space<semaphore_mem>>
        %dma_start3A_98 = tpu.memref_squeeze %dma_start3A_97 : memref<1x!tpu.dma_semaphore, #tpu.memory_space<semaphore_mem>> -> memref<!tpu.dma_semaphore, #tpu.memory_space<semaphore_mem>>
        %dma_start3A_99 = arith.constant 0 : i32
        %dma_start3A_100 = tpu.memref_slice %arg8[%rem3A_45, %dma_start3A_99] : memref<2x128xi32, #tpu.memory_space<vmem>> -> memref<1x128xi32, #tpu.memory_space<vmem>>
        %dma_start3A_101 = tpu.memref_squeeze %dma_start3A_100 : memref<1x128xi32, #tpu.memory_space<vmem>> -> memref<128xi32, #tpu.memory_space<vmem>>
        %dma_start3A_102 = arith.constant 0 : i32
        %dma_start3A_103 = tpu.memref_slice %arg3[%add3A, %add3A_90, %dma_start3A_102] : memref<32x80x128xi32, #tpu.memory_space<hbm>> -> memref<1x1x128xi32, #tpu.memory_space<hbm>>
        %dma_start3A_104 = tpu.memref_squeeze %dma_start3A_103 : memref<1x1x128xi32, #tpu.memory_space<hbm>> -> memref<128xi32, #tpu.memory_space<hbm>>
        tpu.enqueue_dma source(%dma_start3A_104 : memref<128xi32, #tpu.memory_space<hbm>>) target(%dma_start3A_101 : memref<128xi32, #tpu.memory_space<vmem>>) target_semaphore(%dma_start3A_98 : memref<!tpu.dma_semaphore, #tpu.memory_space<semaphore_mem>>)
      } else {
      }
      %dma_wait3A = arith.constant 0 : i32
      %dma_wait3A_50 = arith.constant 0 : i32
      %dma_wait3A_51 = tpu.memref_slice %arg9[%rem3A_41, %dma_wait3A, %dma_wait3A_50] : memref<2x128x128xf32, #tpu.memory_space<vmem>> -> memref<1x128x128xf32, #tpu.memory_space<vmem>>
      %dma_wait3A_52 = tpu.memref_squeeze %dma_wait3A_51 : memref<1x128x128xf32, #tpu.memory_space<vmem>> -> memref<128x128xf32, #tpu.memory_space<vmem>>
      %dma_wait3A_53 = arith.constant 0 : i32
      %dma_wait3A_54 = tpu.memref_slice %arg7[%scan3A_40, %dma_wait3A_53] : memref<80x128xi32, #tpu.memory_space<vmem>> -> memref<1x128xi32, #tpu.memory_space<vmem>>
      %dma_wait3A_55 = tpu.memref_squeeze %dma_wait3A_54 : memref<1x128xi32, #tpu.memory_space<vmem>> -> memref<128xi32, #tpu.memory_space<vmem>>
      %dma_wait3A_56 = arith.constant 0 : i32
      %dma_wait3A_57 = arith.constant 0 : i32
      %dma_wait3A_58 = tpu.memref_slice %arg4[%dma_wait3A_56, %dma_wait3A_57] : memref<10240x128xf32, #tpu.memory_space<hbm>> -> memref<10240x128xf32, #tpu.memory_space<hbm>>
      %dma_wait3A_59 = tpu.memref_slice %arg11[%rem3A_41] : memref<2x!tpu.dma_semaphore, #tpu.memory_space<semaphore_mem>> -> memref<1x!tpu.dma_semaphore, #tpu.memory_space<semaphore_mem>>
      %dma_wait3A_60 = tpu.memref_squeeze %dma_wait3A_59 : memref<1x!tpu.dma_semaphore, #tpu.memory_space<semaphore_mem>> -> memref<!tpu.dma_semaphore, #tpu.memory_space<semaphore_mem>>
      tpu.wait_indirect_dma semaphore(%dma_wait3A_60 : memref<!tpu.dma_semaphore, #tpu.memory_space<semaphore_mem>>) src(%dma_wait3A_58 : memref<10240x128xf32, #tpu.memory_space<hbm>>) dst(%dma_wait3A_52 : memref<128x128xf32, #tpu.memory_space<vmem>>)
      %dma_wait3A_61 = arith.constant 0 : i32
      %dma_wait3A_62 = tpu.memref_slice %arg8[%rem3A_41, %dma_wait3A_61] : memref<2x128xi32, #tpu.memory_space<vmem>> -> memref<1x128xi32, #tpu.memory_space<vmem>>
      %dma_wait3A_63 = tpu.memref_squeeze %dma_wait3A_62 : memref<1x128xi32, #tpu.memory_space<vmem>> -> memref<128xi32, #tpu.memory_space<vmem>>
      %dma_wait3A_64 = arith.constant 0 : i32
      %dma_wait3A_65 = tpu.memref_slice %arg3[%add3A, %scan3A_40, %dma_wait3A_64] : memref<32x80x128xi32, #tpu.memory_space<hbm>> -> memref<1x1x128xi32, #tpu.memory_space<hbm>>
      %dma_wait3A_66 = tpu.memref_squeeze %dma_wait3A_65 : memref<1x1x128xi32, #tpu.memory_space<hbm>> -> memref<128xi32, #tpu.memory_space<hbm>>
      %dma_wait3A_67 = tpu.memref_slice %arg12[%rem3A_41] : memref<2x!tpu.dma_semaphore, #tpu.memory_space<semaphore_mem>> -> memref<1x!tpu.dma_semaphore, #tpu.memory_space<semaphore_mem>>
      %dma_wait3A_68 = tpu.memref_squeeze %dma_wait3A_67 : memref<1x!tpu.dma_semaphore, #tpu.memory_space<semaphore_mem>> -> memref<!tpu.dma_semaphore, #tpu.memory_space<semaphore_mem>>
      %dma_wait3A_69 = arith.constant 0 : i32
      %dma_wait3A_70 = tpu.memref_slice %arg8[%rem3A_41, %dma_wait3A_69] : memref<2x128xi32, #tpu.memory_space<vmem>> -> memref<1x128xi32, #tpu.memory_space<vmem>>
      %dma_wait3A_71 = tpu.memref_squeeze %dma_wait3A_70 : memref<1x128xi32, #tpu.memory_space<vmem>> -> memref<128xi32, #tpu.memory_space<vmem>>
      %dma_wait3A_72 = arith.constant 0 : i32
      %dma_wait3A_73 = tpu.memref_slice %arg3[%add3A, %scan3A_40, %dma_wait3A_72] : memref<32x80x128xi32, #tpu.memory_space<hbm>> -> memref<1x1x128xi32, #tpu.memory_space<hbm>>
      %dma_wait3A_74 = tpu.memref_squeeze %dma_wait3A_73 : memref<1x1x128xi32, #tpu.memory_space<hbm>> -> memref<128xi32, #tpu.memory_space<hbm>>
      tpu.wait_dma2 semaphore(%dma_wait3A_68 : memref<!tpu.dma_semaphore, #tpu.memory_space<semaphore_mem>>) src(%dma_wait3A_74 : memref<128xi32, #tpu.memory_space<hbm>>) dst(%dma_wait3A_71 : memref<128xi32, #tpu.memory_space<vmem>>)
      "tpu.region"() ({
        %run_scoped3A = tpu.sem_alloc : memref<!tpu.dma_semaphore, #tpu.memory_space<semaphore_mem>>
        %dma_start3A_75 = arith.constant 0 : i32
        %dma_start3A_76 = arith.constant 0 : i32
        %dma_start3A_77 = tpu.memref_slice %arg9[%rem3A_41, %dma_start3A_75, %dma_start3A_76] : memref<2x128x128xf32, #tpu.memory_space<vmem>> -> memref<1x128x128xf32, #tpu.memory_space<vmem>>
        %dma_start3A_78 = tpu.memref_squeeze %dma_start3A_77 : memref<1x128x128xf32, #tpu.memory_space<vmem>> -> memref<128x128xf32, #tpu.memory_space<vmem>>
        %dma_start3A_79 = arith.constant 0 : i32
        %dma_start3A_80 = tpu.memref_slice %arg8[%rem3A_41, %dma_start3A_79] : memref<2x128xi32, #tpu.memory_space<vmem>> -> memref<1x128xi32, #tpu.memory_space<vmem>>
        %dma_start3A_81 = tpu.memref_squeeze %dma_start3A_80 : memref<1x128xi32, #tpu.memory_space<vmem>> -> memref<128xi32, #tpu.memory_space<vmem>>
        %dma_start3A_82 = arith.constant 0 : i32
        %dma_start3A_83 = arith.constant 0 : i32
        %dma_start3A_84 = tpu.memref_slice %arg10[%dma_start3A_82, %dma_start3A_83] : memref<10240x128xf32, #tpu.memory_space<vmem_shared>> -> memref<10240x128xf32, #tpu.memory_space<vmem_shared>>
        tpu.enqueue_indirect_dma source(%dma_start3A_78 : memref<128x128xf32, #tpu.memory_space<vmem>>) target(%dma_start3A_84 : memref<10240x128xf32, #tpu.memory_space<vmem_shared>>) offsets(%dma_start3A_81 : memref<128xi32, #tpu.memory_space<vmem>>) semaphore(%run_scoped3A : memref<!tpu.dma_semaphore, #tpu.memory_space<semaphore_mem>>) {add = true}
        %dma_wait3A_85 = arith.constant 0 : i32
        %dma_wait3A_86 = arith.constant 0 : i32
        %dma_wait3A_87 = tpu.memref_slice %arg9[%rem3A_41, %dma_wait3A_85, %dma_wait3A_86] : memref<2x128x128xf32, #tpu.memory_space<vmem>> -> memref<1x128x128xf32, #tpu.memory_space<vmem>>
        %dma_wait3A_88 = tpu.memref_squeeze %dma_wait3A_87 : memref<1x128x128xf32, #tpu.memory_space<vmem>> -> memref<128x128xf32, #tpu.memory_space<vmem>>
        %dma_wait3A_89 = arith.constant 0 : i32
        %dma_wait3A_90 = tpu.memref_slice %arg8[%rem3A_41, %dma_wait3A_89] : memref<2x128xi32, #tpu.memory_space<vmem>> -> memref<1x128xi32, #tpu.memory_space<vmem>>
        %dma_wait3A_91 = tpu.memref_squeeze %dma_wait3A_90 : memref<1x128xi32, #tpu.memory_space<vmem>> -> memref<128xi32, #tpu.memory_space<vmem>>
        %dma_wait3A_92 = arith.constant 0 : i32
        %dma_wait3A_93 = arith.constant 0 : i32
        %dma_wait3A_94 = tpu.memref_slice %arg10[%dma_wait3A_92, %dma_wait3A_93] : memref<10240x128xf32, #tpu.memory_space<vmem_shared>> -> memref<10240x128xf32, #tpu.memory_space<vmem_shared>>
        tpu.wait_indirect_dma semaphore(%run_scoped3A : memref<!tpu.dma_semaphore, #tpu.memory_space<semaphore_mem>>) src(%dma_wait3A_88 : memref<128x128xf32, #tpu.memory_space<vmem>>) dst(%dma_wait3A_94 : memref<10240x128xf32, #tpu.memory_space<vmem_shared>>)
        tpu.yield
      }) : () -> ()
    }
    %scan3A_38 = arith.constant 80 : i32
    %barrier3A_39 = arith.constant 0 : index
    tpu.barrier barrier_id(%barrier3A_39)
    "tpu.region"() ({
      %run_scoped3A = tpu.sem_alloc : memref<!tpu.dma_semaphore, #tpu.memory_space<semaphore_mem>>
      %dma_start3A_40 = arith.constant 0 : i32
      %dma_start3A_41 = tpu.memref_slice %arg6[%arg0, %mul3A_2, %dma_start3A_40] : memref<2x10240x128xf32, #tpu.memory_space<hbm>> -> memref<1x640x128xf32, #tpu.memory_space<hbm>>
      %dma_start3A_42 = tpu.memref_squeeze %dma_start3A_41 : memref<1x640x128xf32, #tpu.memory_space<hbm>> -> memref<640x128xf32, #tpu.memory_space<hbm>>
      %dma_start3A_43 = arith.constant 0 : i32
      %dma_start3A_44 = tpu.memref_slice %arg10[%mul3A_2, %dma_start3A_43] : memref<10240x128xf32, #tpu.memory_space<vmem_shared>> -> memref<640x128xf32, #tpu.memory_space<vmem_shared>>
      tpu.enqueue_dma source(%dma_start3A_44 : memref<640x128xf32, #tpu.memory_space<vmem_shared>>) target(%dma_start3A_42 : memref<640x128xf32, #tpu.memory_space<hbm>>) target_semaphore(%run_scoped3A : memref<!tpu.dma_semaphore, #tpu.memory_space<semaphore_mem>>)
      %dma_wait3A = arith.constant 0 : i32
      %dma_wait3A_45 = tpu.memref_slice %arg6[%arg0, %mul3A_2, %dma_wait3A] : memref<2x10240x128xf32, #tpu.memory_space<hbm>> -> memref<1x640x128xf32, #tpu.memory_space<hbm>>
      %dma_wait3A_46 = tpu.memref_squeeze %dma_wait3A_45 : memref<1x640x128xf32, #tpu.memory_space<hbm>> -> memref<640x128xf32, #tpu.memory_space<hbm>>
      %dma_wait3A_47 = arith.constant 0 : i32
      %dma_wait3A_48 = tpu.memref_slice %arg10[%mul3A_2, %dma_wait3A_47] : memref<10240x128xf32, #tpu.memory_space<vmem_shared>> -> memref<640x128xf32, #tpu.memory_space<vmem_shared>>
      tpu.wait_dma2 semaphore(%run_scoped3A : memref<!tpu.dma_semaphore, #tpu.memory_space<semaphore_mem>>) src(%dma_wait3A_48 : memref<640x128xf32, #tpu.memory_space<vmem_shared>>) dst(%dma_wait3A_46 : memref<640x128xf32, #tpu.memory_space<hbm>>)
      tpu.yield
    }) : () -> ()
    return
  }
}

#map = affine_map<(d0, d1) -> (0, 0, 0)>
#map1 = affine_map<(d0, d1) -> (0)>
#map2 = affine_map<(d0, d1) -> (0, 0)>
module attributes {stable_mosaic.version = 14 : i64} {
  func.func @_sc_degree(%arg0: i32, %arg1: i32, %arg2: memref<32x80x128xi32, #tpu.memory_space<hbm>>, %arg3: memref<10240xf32, #tpu.memory_space<hbm>>, %arg4: memref<128xf32, #tpu.memory_space<hbm>>, %arg5: memref<2x10240xf32, #tpu.memory_space<hbm>>, %arg6: memref<80x128xi32, #tpu.memory_space<vmem>>, %arg7: memref<128xf32, #tpu.memory_space<vmem>>, %arg8: memref<10240xf32, #tpu.memory_space<vmem_shared>>) attributes {dimension_semantics = [#tpu.dimension_semantics<core_parallel>, #tpu.dimension_semantics<subcore_parallel>], iteration_bounds = array<i64: 2, 16>, scalar_prefetch = 0 : i64, scratch_operands = 3 : i64, tpu.core_type = #tpu.core_type<sc_vector_subcore>, window_params = [{transform_indices = #map}, {transform_indices = #map1}, {transform_indices = #map1}, {transform_indices = #map2}]} {
    %mul3A = arith.constant 2 : i32
    %mul3A_0 = arith.muli %arg1, %mul3A : i32
    %add3A = arith.addi %mul3A_0, %arg0 : i32
    %mul3A_1 = arith.constant 640 : i32
    %mul3A_2 = arith.muli %arg1, %mul3A_1 : i32
    "tpu.region"() ({
      %run_scoped3A = tpu.sem_alloc : memref<!tpu.dma_semaphore, #tpu.memory_space<semaphore_mem>>
      %dma_start3A = arith.constant 0 : i32
      %dma_start3A_9 = arith.constant 0 : i32
      %dma_start3A_10 = tpu.memref_slice %arg2[%add3A, %dma_start3A, %dma_start3A_9] : memref<32x80x128xi32, #tpu.memory_space<hbm>> -> memref<1x80x128xi32, #tpu.memory_space<hbm>>
      %dma_start3A_11 = tpu.memref_squeeze %dma_start3A_10 : memref<1x80x128xi32, #tpu.memory_space<hbm>> -> memref<80x128xi32, #tpu.memory_space<hbm>>
      %dma_start3A_12 = arith.constant 0 : i32
      %dma_start3A_13 = arith.constant 0 : i32
      %dma_start3A_14 = tpu.memref_slice %arg2[%add3A, %dma_start3A_12, %dma_start3A_13] : memref<32x80x128xi32, #tpu.memory_space<hbm>> -> memref<1x80x128xi32, #tpu.memory_space<hbm>>
      %dma_start3A_15 = tpu.memref_squeeze %dma_start3A_14 : memref<1x80x128xi32, #tpu.memory_space<hbm>> -> memref<80x128xi32, #tpu.memory_space<hbm>>
      tpu.enqueue_dma source(%dma_start3A_15 : memref<80x128xi32, #tpu.memory_space<hbm>>) target(%arg6 : memref<80x128xi32, #tpu.memory_space<vmem>>) target_semaphore(%run_scoped3A : memref<!tpu.dma_semaphore, #tpu.memory_space<semaphore_mem>>)
      %dma_wait3A = arith.constant 0 : i32
      %dma_wait3A_16 = arith.constant 0 : i32
      %dma_wait3A_17 = tpu.memref_slice %arg2[%add3A, %dma_wait3A, %dma_wait3A_16] : memref<32x80x128xi32, #tpu.memory_space<hbm>> -> memref<1x80x128xi32, #tpu.memory_space<hbm>>
      %dma_wait3A_18 = tpu.memref_squeeze %dma_wait3A_17 : memref<1x80x128xi32, #tpu.memory_space<hbm>> -> memref<80x128xi32, #tpu.memory_space<hbm>>
      %dma_wait3A_19 = arith.constant 0 : i32
      %dma_wait3A_20 = arith.constant 0 : i32
      %dma_wait3A_21 = tpu.memref_slice %arg2[%add3A, %dma_wait3A_19, %dma_wait3A_20] : memref<32x80x128xi32, #tpu.memory_space<hbm>> -> memref<1x80x128xi32, #tpu.memory_space<hbm>>
      %dma_wait3A_22 = tpu.memref_squeeze %dma_wait3A_21 : memref<1x80x128xi32, #tpu.memory_space<hbm>> -> memref<80x128xi32, #tpu.memory_space<hbm>>
      tpu.wait_dma2 semaphore(%run_scoped3A : memref<!tpu.dma_semaphore, #tpu.memory_space<semaphore_mem>>) src(%dma_wait3A_22 : memref<80x128xi32, #tpu.memory_space<hbm>>) dst(%arg6 : memref<80x128xi32, #tpu.memory_space<vmem>>)
      tpu.yield
    }) : () -> ()
    "tpu.region"() ({
      %run_scoped3A = tpu.sem_alloc : memref<!tpu.dma_semaphore, #tpu.memory_space<semaphore_mem>>
      %dma_start3A = tpu.memref_slice %arg8[%mul3A_2] : memref<10240xf32, #tpu.memory_space<vmem_shared>> -> memref<640xf32, #tpu.memory_space<vmem_shared>>
      %dma_start3A_9 = tpu.memref_slice %arg3[%mul3A_2] : memref<10240xf32, #tpu.memory_space<hbm>> -> memref<640xf32, #tpu.memory_space<hbm>>
      tpu.enqueue_dma source(%dma_start3A_9 : memref<640xf32, #tpu.memory_space<hbm>>) target(%dma_start3A : memref<640xf32, #tpu.memory_space<vmem_shared>>) target_semaphore(%run_scoped3A : memref<!tpu.dma_semaphore, #tpu.memory_space<semaphore_mem>>)
      %dma_wait3A = tpu.memref_slice %arg8[%mul3A_2] : memref<10240xf32, #tpu.memory_space<vmem_shared>> -> memref<640xf32, #tpu.memory_space<vmem_shared>>
      %dma_wait3A_10 = tpu.memref_slice %arg3[%mul3A_2] : memref<10240xf32, #tpu.memory_space<hbm>> -> memref<640xf32, #tpu.memory_space<hbm>>
      tpu.wait_dma2 semaphore(%run_scoped3A : memref<!tpu.dma_semaphore, #tpu.memory_space<semaphore_mem>>) src(%dma_wait3A_10 : memref<640xf32, #tpu.memory_space<hbm>>) dst(%dma_wait3A : memref<640xf32, #tpu.memory_space<vmem_shared>>)
      tpu.yield
    }) : () -> ()
    "tpu.region"() ({
      %run_scoped3A = tpu.sem_alloc : memref<!tpu.dma_semaphore, #tpu.memory_space<semaphore_mem>>
      tpu.enqueue_dma source(%arg4 : memref<128xf32, #tpu.memory_space<hbm>>) target(%arg7 : memref<128xf32, #tpu.memory_space<vmem>>) target_semaphore(%run_scoped3A : memref<!tpu.dma_semaphore, #tpu.memory_space<semaphore_mem>>)
      tpu.wait_dma2 semaphore(%run_scoped3A : memref<!tpu.dma_semaphore, #tpu.memory_space<semaphore_mem>>) src(%arg4 : memref<128xf32, #tpu.memory_space<hbm>>) dst(%arg7 : memref<128xf32, #tpu.memory_space<vmem>>)
      tpu.yield
    }) : () -> ()
    %barrier3A = arith.constant 0 : index
    tpu.barrier barrier_id(%barrier3A)
    %scan3A = arith.constant 0 : i32
    %scan3A_3 = arith.constant 0 : i32
    %scan3A_4 = arith.constant 80 : i32
    %scan3A_5 = arith.addi %scan3A_3, %scan3A_4 : i32
    %scan3A_6 = arith.constant 1 : i32
    scf.for %scan3A_9 = %scan3A_3 to %scan3A_5 step %scan3A_6  : i32 {
      "tpu.region"() ({
        %run_scoped3A = tpu.sem_alloc : memref<!tpu.dma_semaphore, #tpu.memory_space<semaphore_mem>>
        %dma_start3A = arith.constant 0 : i32
        %dma_start3A_10 = tpu.memref_slice %arg6[%scan3A_9, %dma_start3A] : memref<80x128xi32, #tpu.memory_space<vmem>> -> memref<1x128xi32, #tpu.memory_space<vmem>>
        %dma_start3A_11 = tpu.memref_squeeze %dma_start3A_10 : memref<1x128xi32, #tpu.memory_space<vmem>> -> memref<128xi32, #tpu.memory_space<vmem>>
        %dma_start3A_12 = arith.constant 0 : i32
        %dma_start3A_13 = tpu.memref_slice %arg8[%dma_start3A_12] : memref<10240xf32, #tpu.memory_space<vmem_shared>> -> memref<10240xf32, #tpu.memory_space<vmem_shared>>
        tpu.enqueue_indirect_dma source(%arg7 : memref<128xf32, #tpu.memory_space<vmem>>) target(%dma_start3A_13 : memref<10240xf32, #tpu.memory_space<vmem_shared>>) offsets(%dma_start3A_11 : memref<128xi32, #tpu.memory_space<vmem>>) semaphore(%run_scoped3A : memref<!tpu.dma_semaphore, #tpu.memory_space<semaphore_mem>>) {add = true}
        %dma_wait3A = arith.constant 0 : i32
        %dma_wait3A_14 = tpu.memref_slice %arg6[%scan3A_9, %dma_wait3A] : memref<80x128xi32, #tpu.memory_space<vmem>> -> memref<1x128xi32, #tpu.memory_space<vmem>>
        %dma_wait3A_15 = tpu.memref_squeeze %dma_wait3A_14 : memref<1x128xi32, #tpu.memory_space<vmem>> -> memref<128xi32, #tpu.memory_space<vmem>>
        %dma_wait3A_16 = arith.constant 0 : i32
        %dma_wait3A_17 = tpu.memref_slice %arg8[%dma_wait3A_16] : memref<10240xf32, #tpu.memory_space<vmem_shared>> -> memref<10240xf32, #tpu.memory_space<vmem_shared>>
        tpu.wait_indirect_dma semaphore(%run_scoped3A : memref<!tpu.dma_semaphore, #tpu.memory_space<semaphore_mem>>) src(%arg7 : memref<128xf32, #tpu.memory_space<vmem>>) dst(%dma_wait3A_17 : memref<10240xf32, #tpu.memory_space<vmem_shared>>)
        tpu.yield
      }) : () -> ()
    }
    %scan3A_7 = arith.constant 80 : i32
    %barrier3A_8 = arith.constant 0 : index
    tpu.barrier barrier_id(%barrier3A_8)
    "tpu.region"() ({
      %run_scoped3A = tpu.sem_alloc : memref<!tpu.dma_semaphore, #tpu.memory_space<semaphore_mem>>
      %dma_start3A = tpu.memref_slice %arg5[%arg0, %mul3A_2] : memref<2x10240xf32, #tpu.memory_space<hbm>> -> memref<1x640xf32, #tpu.memory_space<hbm>>
      %dma_start3A_9 = tpu.memref_squeeze %dma_start3A : memref<1x640xf32, #tpu.memory_space<hbm>> -> memref<640xf32, #tpu.memory_space<hbm>>
      %dma_start3A_10 = tpu.memref_slice %arg8[%mul3A_2] : memref<10240xf32, #tpu.memory_space<vmem_shared>> -> memref<640xf32, #tpu.memory_space<vmem_shared>>
      tpu.enqueue_dma source(%dma_start3A_10 : memref<640xf32, #tpu.memory_space<vmem_shared>>) target(%dma_start3A_9 : memref<640xf32, #tpu.memory_space<hbm>>) target_semaphore(%run_scoped3A : memref<!tpu.dma_semaphore, #tpu.memory_space<semaphore_mem>>)
      %dma_wait3A = tpu.memref_slice %arg5[%arg0, %mul3A_2] : memref<2x10240xf32, #tpu.memory_space<hbm>> -> memref<1x640xf32, #tpu.memory_space<hbm>>
      %dma_wait3A_11 = tpu.memref_squeeze %dma_wait3A : memref<1x640xf32, #tpu.memory_space<hbm>> -> memref<640xf32, #tpu.memory_space<hbm>>
      %dma_wait3A_12 = tpu.memref_slice %arg8[%mul3A_2] : memref<10240xf32, #tpu.memory_space<vmem_shared>> -> memref<640xf32, #tpu.memory_space<vmem_shared>>
      tpu.wait_dma2 semaphore(%run_scoped3A : memref<!tpu.dma_semaphore, #tpu.memory_space<semaphore_mem>>) src(%dma_wait3A_12 : memref<640xf32, #tpu.memory_space<vmem_shared>>) dst(%dma_wait3A_11 : memref<640xf32, #tpu.memory_space<hbm>>)
      tpu.yield
    }) : () -> ()
    return
  }
}

module attributes {stable_mosaic.version = 14 : i64} {
  func.func @_tc0_body(%arg0: i32, %arg1: memref<2048x128xf32, #tpu.memory_space<vmem>>, %arg2: memref<128x128xf32, #tpu.memory_space<vmem>>, %arg3: memref<2048x128xf32, #tpu.memory_space<vmem>>) attributes {dimension_semantics = [#tpu.dimension_semantics<arbitrary>], iteration_bounds = array<i64: 5>, scalar_prefetch = 0 : i64, scratch_operands = 0 : i64, tpu.core_type = #tpu.core_type<tc>, window_params = [{transform_indices = @transform_0, window_bounds = array<i64: 2048, 128>}, {pipeline_mode = #tpu.pipeline_mode<synchronous>, transform_indices = @transform_1, window_bounds = array<i64: 128, 128>}, {transform_indices = @transform_2, window_bounds = array<i64: 2048, 128>}]} {
    %get3A = arith.constant 0 : index
    %get3A_0 = arith.constant 0 : index
    %get3A_1 = vector.load %arg1[%get3A, %get3A_0] : memref<2048x128xf32, #tpu.memory_space<vmem>>, vector<2048x128xf32>
    %get3A_2 = arith.constant 0 : index
    %get3A_3 = arith.constant 0 : index
    %get3A_4 = vector.load %arg2[%get3A_2, %get3A_3] : memref<128x128xf32, #tpu.memory_space<vmem>>, vector<128x128xf32>
    %dot_general3A = arith.constant dense<0.000000e+00> : vector<2048x128xf32>
    %dot_general3A_5 = tpu.matmul %get3A_1, %get3A_4, %dot_general3A {dimension_numbers = #tpu.dot_dimension_numbers<[1], [0], [0], [1], [0, 0, 1, 1], [], []>, transpose_lhs_hint = false} : vector<2048x128xf32>, vector<128x128xf32>, vector<2048x128xf32> -> vector<2048x128xf32>
    %swap3A = arith.constant 0 : index
    %swap3A_6 = arith.constant 0 : index
    %swap3A_7 = vector.load %arg3[%swap3A, %swap3A_6] : memref<2048x128xf32, #tpu.memory_space<vmem>>, vector<2048x128xf32>
    tpu.vector_store %arg3[%swap3A, %swap3A_6], %dot_general3A_5 {strides = array<i32>} : memref<2048x128xf32, #tpu.memory_space<vmem>>, vector<2048x128xf32>,
    return
  }
  func.func @transform_0(%arg0: i32) -> (i32, i32) {
    %c0_i32 = arith.constant 0 : i32
    %c0_i32_0 = arith.constant 0 : i32
    return %arg0, %c0_i32 : i32, i32
  }
  func.func @transform_1(%arg0: i32) -> (i32, i32) {
    %c0_i32 = arith.constant 0 : i32
    %c0_i32_0 = arith.constant 0 : i32
    %c0_i32_1 = arith.constant 0 : i32
    return %c0_i32, %c0_i32_0 : i32, i32
  }
  func.func @transform_2(%arg0: i32) -> (i32, i32) {
    %c0_i32 = arith.constant 0 : i32
    %c0_i32_0 = arith.constant 0 : i32
    return %arg0, %c0_i32 : i32, i32
  }
}

module attributes {stable_mosaic.version = 14 : i64} {
  func.func @_tc1_body(%arg0: i32, %arg1: memref<2048x128xf32, #tpu.memory_space<vmem>>, %arg2: memref<2048x1xf32, #tpu.memory_space<vmem>>, %arg3: memref<2048x1xf32, #tpu.memory_space<vmem>>, %arg4: memref<2048x128xf32, #tpu.memory_space<vmem>>, %arg5: memref<2048x1xf32, #tpu.memory_space<vmem>>) attributes {dimension_semantics = [#tpu.dimension_semantics<arbitrary>], iteration_bounds = array<i64: 5>, scalar_prefetch = 0 : i64, scratch_operands = 0 : i64, tpu.core_type = #tpu.core_type<tc>, window_params = [{transform_indices = @transform_0, window_bounds = array<i64: 2048, 128>}, {transform_indices = @transform_1, window_bounds = array<i64: 2048, 1>}, {transform_indices = @transform_2, window_bounds = array<i64: 2048, 1>}, {transform_indices = @transform_3, window_bounds = array<i64: 2048, 128>}, {transform_indices = @transform_4, window_bounds = array<i64: 2048, 1>}]} {
    %get3A = arith.constant 0 : index
    %get3A_0 = arith.constant 0 : index
    %get3A_1 = vector.load %arg2[%get3A, %get3A_0] : memref<2048x1xf32, #tpu.memory_space<vmem>>, vector<2048x1xf32>
    %get3A_2 = arith.constant 0 : index
    %get3A_3 = arith.constant 0 : index
    %get3A_4 = vector.load %arg3[%get3A_2, %get3A_3] : memref<2048x1xf32, #tpu.memory_space<vmem>>, vector<2048x1xf32>
    %add3A = arith.addf %get3A_1, %get3A_4 : vector<2048x1xf32>
    %add3A_5 = arith.constant 1.000000e+00 : f32
    %add3A_6 = vector.broadcast %add3A_5 : f32 to vector<2048x1xf32>
    %add3A_7 = arith.addf %add3A, %add3A_6 : vector<2048x1xf32>
    %rsqrt3A = math.rsqrt %add3A_7 : vector<2048x1xf32>
    %get3A_8 = arith.constant 0 : index
    %get3A_9 = arith.constant 0 : index
    %get3A_10 = vector.load %arg1[%get3A_8, %get3A_9] : memref<2048x128xf32, #tpu.memory_space<vmem>>, vector<2048x128xf32>
    %mul3A = vector.broadcast %rsqrt3A : vector<2048x1xf32> to vector<2048x128xf32>
    %mul3A_11 = arith.mulf %get3A_10, %mul3A : vector<2048x128xf32>
    %swap3A = arith.constant 0 : index
    %swap3A_12 = arith.constant 0 : index
    %swap3A_13 = vector.load %arg4[%swap3A, %swap3A_12] : memref<2048x128xf32, #tpu.memory_space<vmem>>, vector<2048x128xf32>
    tpu.vector_store %arg4[%swap3A, %swap3A_12], %mul3A_11 {strides = array<i32>} : memref<2048x128xf32, #tpu.memory_space<vmem>>, vector<2048x128xf32>,
    %swap3A_14 = arith.constant 0 : index
    %swap3A_15 = arith.constant 0 : index
    %swap3A_16 = vector.load %arg5[%swap3A_14, %swap3A_15] : memref<2048x1xf32, #tpu.memory_space<vmem>>, vector<2048x1xf32>
    tpu.vector_store %arg5[%swap3A_14, %swap3A_15], %rsqrt3A {strides = array<i32>} : memref<2048x1xf32, #tpu.memory_space<vmem>>, vector<2048x1xf32>,
    return
  }
  func.func @transform_0(%arg0: i32) -> (i32, i32) {
    %c0_i32 = arith.constant 0 : i32
    %c0_i32_0 = arith.constant 0 : i32
    return %arg0, %c0_i32 : i32, i32
  }
  func.func @transform_1(%arg0: i32) -> (i32, i32) {
    %c0_i32 = arith.constant 0 : i32
    %c0_i32_0 = arith.constant 0 : i32
    return %arg0, %c0_i32 : i32, i32
  }
  func.func @transform_2(%arg0: i32) -> (i32, i32) {
    %c0_i32 = arith.constant 0 : i32
    %c0_i32_0 = arith.constant 0 : i32
    return %arg0, %c0_i32 : i32, i32
  }
  func.func @transform_3(%arg0: i32) -> (i32, i32) {
    %c0_i32 = arith.constant 0 : i32
    %c0_i32_0 = arith.constant 0 : i32
    return %arg0, %c0_i32 : i32, i32
  }
  func.func @transform_4(%arg0: i32) -> (i32, i32) {
    %c0_i32 = arith.constant 0 : i32
    %c0_i32_0 = arith.constant 0 : i32
    return %arg0, %c0_i32 : i32, i32
  }
}

module attributes {stable_mosaic.version = 14 : i64} {
  func.func @_tc2_body(%arg0: i32, %arg1: memref<2048x128xf32, #tpu.memory_space<vmem>>, %arg2: memref<2048x128xf32, #tpu.memory_space<vmem>>, %arg3: memref<2048x128xf32, #tpu.memory_space<vmem>>, %arg4: memref<2048x1xf32, #tpu.memory_space<vmem>>, %arg5: memref<1x128xf32, #tpu.memory_space<vmem>>, %arg6: memref<128x128xf32, #tpu.memory_space<vmem>>, %arg7: memref<2048x128xf32, #tpu.memory_space<vmem>>) attributes {dimension_semantics = [#tpu.dimension_semantics<arbitrary>], iteration_bounds = array<i64: 5>, scalar_prefetch = 0 : i64, scratch_operands = 0 : i64, tpu.core_type = #tpu.core_type<tc>, window_params = [{transform_indices = @transform_0, window_bounds = array<i64: 2048, 128>}, {transform_indices = @transform_1, window_bounds = array<i64: 2048, 128>}, {transform_indices = @transform_2, window_bounds = array<i64: 2048, 128>}, {transform_indices = @transform_3, window_bounds = array<i64: 2048, 1>}, {pipeline_mode = #tpu.pipeline_mode<synchronous>, transform_indices = @transform_4, window_bounds = array<i64: 1, 128>}, {pipeline_mode = #tpu.pipeline_mode<synchronous>, transform_indices = @transform_5, window_bounds = array<i64: 128, 128>}, {transform_indices = @transform_6, window_bounds = array<i64: 2048, 128>}]} {
    %get3A = arith.constant 0 : index
    %get3A_0 = arith.constant 0 : index
    %get3A_1 = vector.load %arg4[%get3A, %get3A_0] : memref<2048x1xf32, #tpu.memory_space<vmem>>, vector<2048x1xf32>
    %get3A_2 = arith.constant 0 : index
    %get3A_3 = arith.constant 0 : index
    %get3A_4 = vector.load %arg1[%get3A_2, %get3A_3] : memref<2048x128xf32, #tpu.memory_space<vmem>>, vector<2048x128xf32>
    %get3A_5 = arith.constant 0 : index
    %get3A_6 = arith.constant 0 : index
    %get3A_7 = vector.load %arg2[%get3A_5, %get3A_6] : memref<2048x128xf32, #tpu.memory_space<vmem>>, vector<2048x128xf32>
    %add3A = arith.addf %get3A_4, %get3A_7 : vector<2048x128xf32>
    %get3A_8 = arith.constant 0 : index
    %get3A_9 = arith.constant 0 : index
    %get3A_10 = vector.load %arg3[%get3A_8, %get3A_9] : memref<2048x128xf32, #tpu.memory_space<vmem>>, vector<2048x128xf32>
    %add3A_11 = arith.addf %add3A, %get3A_10 : vector<2048x128xf32>
    %mul3A = vector.broadcast %get3A_1 : vector<2048x1xf32> to vector<2048x128xf32>
    %mul3A_12 = arith.mulf %mul3A, %add3A_11 : vector<2048x128xf32>
    %get3A_13 = arith.constant 0 : index
    %get3A_14 = arith.constant 0 : index
    %get3A_15 = vector.load %arg5[%get3A_13, %get3A_14] : memref<1x128xf32, #tpu.memory_space<vmem>>, vector<1x128xf32>
    %add3A_16 = vector.broadcast %get3A_15 : vector<1x128xf32> to vector<2048x128xf32>
    %add3A_17 = arith.addf %mul3A_12, %add3A_16 : vector<2048x128xf32>
    %max3A = arith.constant 0.000000e+00 : f32
    %max3A_18 = vector.broadcast %max3A : f32 to vector<2048x128xf32>
    %max3A_19 = arith.maximumf %add3A_17, %max3A_18 : vector<2048x128xf32>
    %get3A_20 = arith.constant 0 : index
    %get3A_21 = arith.constant 0 : index
    %get3A_22 = vector.load %arg6[%get3A_20, %get3A_21] : memref<128x128xf32, #tpu.memory_space<vmem>>, vector<128x128xf32>
    %dot_general3A = arith.constant dense<0.000000e+00> : vector<2048x128xf32>
    %dot_general3A_23 = tpu.matmul %max3A_19, %get3A_22, %dot_general3A {dimension_numbers = #tpu.dot_dimension_numbers<[1], [0], [0], [1], [0, 0, 1, 1], [], []>, transpose_lhs_hint = false} : vector<2048x128xf32>, vector<128x128xf32>, vector<2048x128xf32> -> vector<2048x128xf32>
    %mul3A_24 = vector.broadcast %get3A_1 : vector<2048x1xf32> to vector<2048x128xf32>
    %mul3A_25 = arith.mulf %dot_general3A_23, %mul3A_24 : vector<2048x128xf32>
    %swap3A = arith.constant 0 : index
    %swap3A_26 = arith.constant 0 : index
    %swap3A_27 = vector.load %arg7[%swap3A, %swap3A_26] : memref<2048x128xf32, #tpu.memory_space<vmem>>, vector<2048x128xf32>
    tpu.vector_store %arg7[%swap3A, %swap3A_26], %mul3A_25 {strides = array<i32>} : memref<2048x128xf32, #tpu.memory_space<vmem>>, vector<2048x128xf32>,
    return
  }
  func.func @transform_0(%arg0: i32) -> (i32, i32) {
    %c0_i32 = arith.constant 0 : i32
    %c0_i32_0 = arith.constant 0 : i32
    return %arg0, %c0_i32 : i32, i32
  }
  func.func @transform_1(%arg0: i32) -> (i32, i32) {
    %c0_i32 = arith.constant 0 : i32
    %c0_i32_0 = arith.constant 0 : i32
    return %arg0, %c0_i32 : i32, i32
  }
  func.func @transform_2(%arg0: i32) -> (i32, i32) {
    %c0_i32 = arith.constant 0 : i32
    %c0_i32_0 = arith.constant 0 : i32
    return %arg0, %c0_i32 : i32, i32
  }
  func.func @transform_3(%arg0: i32) -> (i32, i32) {
    %c0_i32 = arith.constant 0 : i32
    %c0_i32_0 = arith.constant 0 : i32
    return %arg0, %c0_i32 : i32, i32
  }
  func.func @transform_4(%arg0: i32) -> (i32, i32) {
    %c0_i32 = arith.constant 0 : i32
    %c0_i32_0 = arith.constant 0 : i32
    %c0_i32_1 = arith.constant 0 : i32
    return %c0_i32, %c0_i32_0 : i32, i32
  }
  func.func @transform_5(%arg0: i32) -> (i32, i32) {
    %c0_i32 = arith.constant 0 : i32
    %c0_i32_0 = arith.constant 0 : i32
    %c0_i32_1 = arith.constant 0 : i32
    return %c0_i32, %c0_i32_0 : i32, i32
  }
  func.func @transform_6(%arg0: i32) -> (i32, i32) {
    %c0_i32 = arith.constant 0 : i32
    %c0_i32_0 = arith.constant 0 : i32
    return %arg0, %c0_i32 : i32, i32
  }
}

module attributes {stable_mosaic.version = 14 : i64} {
  func.func @_tc3_body(%arg0: i32, %arg1: memref<2048x128xf32, #tpu.memory_space<vmem>>, %arg2: memref<2048x128xf32, #tpu.memory_space<vmem>>, %arg3: memref<2048x128xf32, #tpu.memory_space<vmem>>, %arg4: memref<2048x1xf32, #tpu.memory_space<vmem>>, %arg5: memref<1x128xf32, #tpu.memory_space<vmem>>, %arg6: memref<2048x128xf32, #tpu.memory_space<vmem>>) attributes {dimension_semantics = [#tpu.dimension_semantics<arbitrary>], iteration_bounds = array<i64: 5>, scalar_prefetch = 0 : i64, scratch_operands = 0 : i64, tpu.core_type = #tpu.core_type<tc>, window_params = [{transform_indices = @transform_0, window_bounds = array<i64: 2048, 128>}, {transform_indices = @transform_1, window_bounds = array<i64: 2048, 128>}, {transform_indices = @transform_2, window_bounds = array<i64: 2048, 128>}, {transform_indices = @transform_3, window_bounds = array<i64: 2048, 1>}, {pipeline_mode = #tpu.pipeline_mode<synchronous>, transform_indices = @transform_4, window_bounds = array<i64: 1, 128>}, {transform_indices = @transform_5, window_bounds = array<i64: 2048, 128>}]} {
    %get3A = arith.constant 0 : index
    %get3A_0 = arith.constant 0 : index
    %get3A_1 = vector.load %arg4[%get3A, %get3A_0] : memref<2048x1xf32, #tpu.memory_space<vmem>>, vector<2048x1xf32>
    %get3A_2 = arith.constant 0 : index
    %get3A_3 = arith.constant 0 : index
    %get3A_4 = vector.load %arg1[%get3A_2, %get3A_3] : memref<2048x128xf32, #tpu.memory_space<vmem>>, vector<2048x128xf32>
    %get3A_5 = arith.constant 0 : index
    %get3A_6 = arith.constant 0 : index
    %get3A_7 = vector.load %arg2[%get3A_5, %get3A_6] : memref<2048x128xf32, #tpu.memory_space<vmem>>, vector<2048x128xf32>
    %add3A = arith.addf %get3A_4, %get3A_7 : vector<2048x128xf32>
    %get3A_8 = arith.constant 0 : index
    %get3A_9 = arith.constant 0 : index
    %get3A_10 = vector.load %arg3[%get3A_8, %get3A_9] : memref<2048x128xf32, #tpu.memory_space<vmem>>, vector<2048x128xf32>
    %add3A_11 = arith.addf %add3A, %get3A_10 : vector<2048x128xf32>
    %mul3A = vector.broadcast %get3A_1 : vector<2048x1xf32> to vector<2048x128xf32>
    %mul3A_12 = arith.mulf %mul3A, %add3A_11 : vector<2048x128xf32>
    %get3A_13 = arith.constant 0 : index
    %get3A_14 = arith.constant 0 : index
    %get3A_15 = vector.load %arg5[%get3A_13, %get3A_14] : memref<1x128xf32, #tpu.memory_space<vmem>>, vector<1x128xf32>
    %add3A_16 = vector.broadcast %get3A_15 : vector<1x128xf32> to vector<2048x128xf32>
    %add3A_17 = arith.addf %mul3A_12, %add3A_16 : vector<2048x128xf32>
    %max3A = arith.constant 0.000000e+00 : f32
    %max3A_18 = vector.broadcast %max3A : f32 to vector<2048x128xf32>
    %max3A_19 = arith.maximumf %add3A_17, %max3A_18 : vector<2048x128xf32>
    %swap3A = arith.constant 0 : index
    %swap3A_20 = arith.constant 0 : index
    %swap3A_21 = vector.load %arg6[%swap3A, %swap3A_20] : memref<2048x128xf32, #tpu.memory_space<vmem>>, vector<2048x128xf32>
    tpu.vector_store %arg6[%swap3A, %swap3A_20], %max3A_19 {strides = array<i32>} : memref<2048x128xf32, #tpu.memory_space<vmem>>, vector<2048x128xf32>,
    return
  }
  func.func @transform_0(%arg0: i32) -> (i32, i32) {
    %c0_i32 = arith.constant 0 : i32
    %c0_i32_0 = arith.constant 0 : i32
    return %arg0, %c0_i32 : i32, i32
  }
  func.func @transform_1(%arg0: i32) -> (i32, i32) {
    %c0_i32 = arith.constant 0 : i32
    %c0_i32_0 = arith.constant 0 : i32
    return %arg0, %c0_i32 : i32, i32
  }
  func.func @transform_2(%arg0: i32) -> (i32, i32) {
    %c0_i32 = arith.constant 0 : i32
    %c0_i32_0 = arith.constant 0 : i32
    return %arg0, %c0_i32 : i32, i32
  }
  func.func @transform_3(%arg0: i32) -> (i32, i32) {
    %c0_i32 = arith.constant 0 : i32
    %c0_i32_0 = arith.constant 0 : i32
    return %arg0, %c0_i32 : i32, i32
  }
  func.func @transform_4(%arg0: i32) -> (i32, i32) {
    %c0_i32 = arith.constant 0 : i32
    %c0_i32_0 = arith.constant 0 : i32
    %c0_i32_1 = arith.constant 0 : i32
    return %c0_i32, %c0_i32_0 : i32, i32
  }
  func.func @transform_5(%arg0: i32) -> (i32, i32) {
    %c0_i32 = arith.constant 0 : i32
    %c0_i32_0 = arith.constant 0 : i32
    return %arg0, %c0_i32 : i32, i32
  }
}

</mosaic_0001>

<sc_bundles>
// kernel: kernel.12.cloned.1.call-start
scs
__scs_entry_jumppad:
0x0: {  	(pc) =	sbr.rel $0x88, $3  }
0x1: {  	(tag) =	ssettag $0x0;
	lr =	simm.s32 $0x1  }
0x2: {  	[smem:$0x3F9B] =	sst lr;
	_ =	strace $0xD0000000  }
0x3: {  	_ = 	snop  }
0x4: {  	_ = 	snop  }
0x5: {  	_ = 	snop  }
0x6: {  	_ = 	snop  }
0x7: {  	_ = 	snop  }
__scs_overlays_trampoline_lowered:
0x8: {  	[smem:$0x3FAA] =	sst s0  }
0x9: {  	[smem:$0x3FAB] =	sst s1  }
0xa: {  	[smem:$0x3FAC] =	sst s2  }
0xb: {  	[smem:$0x3FAD] =	sst s3  }
0xc: {  	[smem:$0x3FAE] =	sst s4  }
0xd: {  	[smem:$0x3FAF] =	sst s5  }
0xe: {  	[smem:$0x3FB0] =	sst s6  }
0xf: {  	[smem:$0x3FB1] =	sst s7  }
0x10: {  	[smem:$0x3FB2] =	sst s8  }
0x11: {  	[smem:$0x3FB3] =	sst s9;
	s0 =	simm.s32 @!p0 $0x0  }
0x12: {  	s1 =	sld [smem:$0x3F99];
	s0 =	simm.s32 @p0 $0x1  }
0x13: {  	[smem:$0x3FB4] =	sst s0;
	s0 =	simm.s32 @!p1 $0x0  }
0x14: {  	s2 =	sld [smem:$0x3F98];
	s0 =	simm.s32 @p1 $0x1  }
0x15: {  	[smem:$0x3FB5] =	sst s0;
	s0 =	simm.s32 @!p2 $0x0  }
0x16: {  	s3 =	sld [smem:$0x3FDB];
	s0 =	simm.s32 @p2 $0x1  }
0x17: {  	s4 =	simm.s32 $0x1BF5;
	[smem:$0x3FB7] =	sst s0  }
0x18: {  	s0 =	sld [smem:$0x3F9A];
	_ =	swait.ge [sflag:s4], $0x0  }
0x19: {  	s7 =	sld [smem:$0x3F9B]  }
0x1a: {  	s8 =	sadd.s32 $0xFFFFE003, lr  }
0x1b: {  	s9 =	sadd.s32 $0xFFFFFEF7, lr;
	s5 =	simm.s32 $0xFFFFFFFF;
	p2 =	slt.u32 s8, $0xFFFFF086  }
0x1c: {  	p1 =	slt.u32 s9, $0xF7A;
	s5 =	simm.s32 @!p2 $0x0  }
0x1d: {  	s5 =	simm.s32 @p1 $0x1;
	p0 =	seq.s32 s7, s2  }
0x1e: {  	s7 =	smul.u32 @!p0 $0xF7A, s2;
	p2 =	seq.s32 @!p0 s5, $0x0  }
0x1f: {  	s9 =	smul.u32 $0xF7A, s1;
	s8 =	simm.s32 @!p0 $0x1BF5;
	p2 =	por !p2, p0  }
0x20: {  	[sflag:s8] =	ssyncset.s32 @!p0 $0xFFFFF086;
	s6 =	sadd.s32 @!p0 s3, s7;
	s7 =	simm.s32 @!p0 $0x108  }
0x21: {  	s3 =	sadd.s32 s3, s9;
	s6 =	sadd.s32 @!p0 $0x88, s6;
	s7 =	simm.s32 @p2 $0x1082  }
0x22: {  	[simem:s7], [sflag:s8] =	dma.local @!p0 [hbm:s6], $0xF7A  }
0x23: {  	s9 =	sor.u32 $0xD0000000, s2;
	s6 =	simm.s32 $0x108;
	_ =	swait.ge @!p0 [sflag:s8], $0x0  }
0x24: {  	s3 =	sadd.s32 $0x88, s3;
	s6 =	simm.s32 @!p1 $0x1082;
	[sflag:s4] =	ssyncset.s32 $0xFFFFF086  }
0x25: {  	[simem:s6], [sflag:s4] =	dma.local [hbm:s3], $0xF7A  }
0x26: {  	[smem:$0x3F9B] =	sst s1;
	(tag) =	ssettag s2;
	_ =	strace s9  }
0x27: {  	s1 =	sld [smem:$0x3FAB]  }
0x28: {  	s2 =	sld [smem:$0x3FAC]  }
0x29: {  	s4 =	sld [smem:$0x3FAE]  }
0x2a: {  	p0 =	seq.s32 s5, $0x0;
	s5 =	sld [smem:$0x3FAF]  }
0x2b: {  	s6 =	sld [smem:$0x3FB0]  }
0x2c: {  	s7 =	sld [smem:$0x3FB1]  }
0x2d: {  	s3 =	simm.s32 $0x108;
	s8 =	sld [smem:$0x3FB2]  }
0x2e: {  	s3 =	simm.s32 @!p0 $0x1082;
	s9 =	sld [smem:$0x3FB3]  }
0x2f: {  	lr =	sadd.s32 s0, s3;
	s0 =	sld [smem:$0x3FAA]  }
0x30: {  	s3 =	sld [smem:$0x3FAD]  }
0x31: {  	[smem:$0x3FB6] =	sst s10  }
0x32: {  	s10 =	sld [smem:$0x3FB4];
	_ =	sdelay $0x3  }
0x33: {  	p0 =	seq.s32 s10, $0x1;
	s10 =	sld [smem:$0x3FB6];
	_ =	sdelay $0x3  }
0x34: {  	[smem:$0x3FB6] =	sst s10  }
0x35: {  	s10 =	sld [smem:$0x3FB5];
	_ =	sdelay $0x3  }
0x36: {  	p1 =	seq.s32 s10, $0x1;
	s10 =	sld [smem:$0x3FB6];
	_ =	sdelay $0x3  }
0x37: {  	[smem:$0x3FB6] =	sst s10  }
0x38: {  	s10 =	sld [smem:$0x3FB7]  }
0x39: {  	_ = 	snop;
	(pc) =	sbr.ind lr, $3  }
0x3a: {  	_ = 	snop  }
0x3b: {  	_ = 	snop  }
0x3c: {  	p2 =	seq.s32 s10, $0x1;
	s10 =	sld [smem:$0x3FB6]  }
0x3d: {  	_ =	shalt  }
0x3e: {  	_ =	shalt  }
0x3f: {  	_ =	shalt  }
0x40: {  	_ =	shalt  }
0x41: {  	_ =	shalt  }
0x42: {  	_ =	shalt  }
0x43: {  	_ =	shalt  }
0x44: {  	_ =	shalt  }
0x45: {  	_ =	shalt  }
0x46: {  	_ =	shalt  }
0x47: {  	_ =	shalt  }
0x48: {  	_ =	shalt  }
0x49: {  	_ =	shalt  }
0x4a: {  	_ =	shalt  }
0x4b: {  	_ =	shalt  }
0x4c: {  	_ =	shalt  }
0x4d: {  	_ =	shalt  }
0x4e: {  	_ =	shalt  }
0x4f: {  	_ =	shalt  }
0x50: {  	_ =	shalt  }
0x51: {  	_ =	shalt  }
0x52: {  	_ =	shalt  }
0x53: {  	_ =	shalt  }
0x54: {  	_ =	shalt  }
0x55: {  	_ =	shalt  }
0x56: {  	_ =	shalt  }
0x57: {  	_ =	shalt  }
0x58: {  	_ =	shalt  }
0x59: {  	_ =	shalt  }
0x5a: {  	_ =	shalt  }
0x5b: {  	_ =	shalt  }
0x5c: {  	_ =	shalt  }
0x5d: {  	_ =	shalt  }
0x5e: {  	_ =	shalt  }
0x5f: {  	_ =	shalt  }
0x60: {  	_ =	shalt  }
0x61: {  	_ =	shalt  }
0x62: {  	_ =	shalt  }
0x63: {  	_ =	shalt  }
0x64: {  	_ =	shalt  }
0x65: {  	_ =	shalt  }
0x66: {  	_ =	shalt  }
0x67: {  	_ =	shalt  }
0x68: {  	_ =	shalt  }
0x69: {  	_ =	shalt  }
0x6a: {  	_ =	shalt  }
0x6b: {  	_ =	shalt  }
0x6c: {  	_ =	shalt  }
0x6d: {  	_ =	shalt  }
0x6e: {  	_ =	shalt  }
0x6f: {  	_ =	shalt  }
0x70: {  	_ =	shalt  }
0x71: {  	_ =	shalt  }
0x72: {  	_ =	shalt  }
0x73: {  	_ =	shalt  }
0x74: {  	_ =	shalt  }
0x75: {  	_ =	shalt  }
0x76: {  	_ =	shalt  }
0x77: {  	_ =	shalt  }
0x78: {  	_ =	shalt  }
0x79: {  	_ =	shalt  }
0x7a: {  	_ =	shalt  }
0x7b: {  	_ =	shalt  }
0x7c: {  	_ =	shalt  }
0x7d: {  	_ =	shalt  }
0x7e: {  	_ =	shalt  }
0x7f: {  	_ =	shalt  }
0x80: {  	_ =	shalt  }
0x81: {  	_ =	shalt  }
0x82: {  	_ =	shalt  }
0x83: {  	_ =	shalt  }
0x84: {  	_ =	shalt  }
0x85: {  	_ =	shalt  }
0x86: {  	_ =	shalt  }
0x87: {  	_ =	shalt  }
.Lfunc_end0:
.L_simem_size_0:
called_computation.1_lowered:
.L_overlay_start_0:
0x88: {  	s2 =	sld [smem:$0x3FD9]  }
0x89: {  	s3 =	sld [smem:$0x3FFE];
	_ =	sdelay $0x1  }
0x8a: {  	s1 =	srdreg.scid  }
0x8b: {  	s0 =	sand.u32 $0x1, s1  }
0x8c: {  	s17 =	sshll.u32 s0, $0xA;
	s2 =	sadd.s32 s3, s2  }
0x8d: {  	s2 =	sadd.s32 s2, s17  }
0x8e: {  	[smem:$0x3FC2] =	sst s2  }
0x8f: {  	_ = 	snop  }
0x90: {  	s2 =	sld [smem:$0x3FD0];
	(tm) =	ssettm $0x1  }
0x91: {  	s18 =	sld [smem:$0x3FFB];
	_ =	sdelay $0x3  }
0x92: {  	_ =	strace s18  }
0x93: {  	s3 =	sld [smem:$0x3FFC];
	_ =	sdelay $0x3  }
0x94: {  	_ =	strace s3  }
0x95: {  	s3 =	sld [smem:$0x3FFD];
	_ =	sdelay $0x3  }
0x96: {  	_ =	strace s3  }
0x97: {  	_ =	strace $0x8FFFFFFF  }
0x98: {  	s19 =	sld [smem:$0x3FDB];
	_ =	sdelay $0x1  }
0x99: {  	s4 =	simm.s32 $_scs_section_size  }
0x9a: {  	s5 =	simm.s32 $_size__tile_overlayer_lowered;
	s6 =	simm.s32 $_tile_overlayer_lowered  }
0x9b: {  	s22 =	simm.s32 $0x1BFF;
	s21 =	sshll.u32 s6, $0x1;
	s3 =	sadd.s32 s4, s19  }
0x9c: {  	s7 =	simm.s32 $0x0;
	s20 =	sshll.u32 s5, $0x1;
	s5 =	sadd.s32 s21, s3  }
0x9d: {  	[timem:s7], [sflag:s22] =	dma.local [hbm:s5], s20  }
0x9e: {  	_ =	swait.ge [sflag:s22], s20  }
0x9f: {  	s4 =	ssub.s32 $0x0, s20;
	[sflag:s22] =	ssyncset.done $0x0  }
0xa0: {  	[sflag:s22] =	ssyncadd.s32 s4;
	_ =	sdelay $0x1  }
0xa1: {  	s23 =	simm.s32 $0x1B8B  }
0xa2: {  	_ =	swait.ge [sflag:s23], $0x1  }
0xa3: {  	[sflag:s23] =	ssyncset.done $0x0  }
0xa4: {  	s25 =	simm.s32 $0x1B8E;
	s24 =	sld [smem:$0x3FFE];
	[sflag:s23] =	ssyncadd.s32 $0xFFFFFFFF  }
0xa5: {  	s26 =	simm.s32 $execute0_lowered;
	[smem:$0x3FD2] =	sst s25  }
0xa6: {  	s5 =	sshll.u32 s26, $0x1;
	_ =	strace $0x80000049;
	[dreg:$0x1] =	wrdreg $0xFFFFFFFF  }
0xa7: {  	s28 =	simm.s32 $_size_execute0_lowered;
	s3 =	sadd.s32 s3, s5;
	[dreg:$0x0] =	wrdreg $0x0  }
0xa8: {  	s5 =	sshll.u32 s28, $0x1;
	[dreg:$0x2] =	wrdreg s3  }
0xa9: {  	[dreg:$0x3] =	wrdreg s5  }
0xaa: {  	[dreg:$0x4] =	wrdreg $0xC0  }
0xab: {  	_ =	task [dreg:s7], $0x5FFFF  }
0xac: {  	[dreg:$0x1] =	wrdreg $0xFFFFFFFF  }
0xad: {  	[dreg:$0x0] =	wrdreg $0x60  }
0xae: {  	[dreg:$0x2] =	wrdreg s2  }
0xaf: {  	[dreg:$0x3] =	wrdreg s24  }
0xb0: {  	[dreg:$0x4] =	wrdreg $0xA9000  }
0xb1: {  	[dreg:$0x5] =	wrdreg $0x9  }
0xb2: {  	_ =	task.clear_ibuf [dreg:s7], $0x6FFFF;
	_ =	strace $0x90000049  }
0xb3: {  	s29 =	simm.s32 $0x9;
	_ =	strace $0x8000004B  }
0xb4: {  	_ =	swait.ge [sflag:s29], $0x1  }
0xb5: {  	[sflag:s29] =	ssyncadd.s32 $0xFFFFFFFF  }
0xb6: {  	_ =	strace $0x9000004B  }
0xb7: {  	_ =	sfence  }
0xb8: {  	s30 =	sld [smem:$0x0];
	_ =	sdelay $0x2  }
0xb9: {  	s31 =	sshll.u32 s1, $0xD;
	s1 =	sshrl.u32 s1, $0x2  }
0xba: {  	s3 =	sand.u32 $0x4000, s31;
	s1 =	sadd.s32 s1, s30  }
0xbb: {  	s0 =	sor.u32 s3, s0;
	s1 =	sshll.u32 s1, $0x11  }
0xbc: {  	s0 =	sor.u32 s1, s0  }
0xbd: {  	s0 =	sadd.s32 $0x8F2B, s0  }
0xbe: {  	[sflag:s0] =	ssyncadd.remote.s32 $0x1  }
0xbf: {  	_ =	sfence.sel $0xFFFF  }
0xc0: {  	[dreg:$0x0] =	wrdreg $0xFFFFFFFF;
	(pc) =	sbr.abs _section_cstart, $3  }
0xc1: {  	[dreg:$0x1] =	wrdreg $0xFFFFFFFF  }
0xc2: {  	_ =	task.clear_ibuf [dreg:s7], $0x2FFFF;
	_ =	strace $0x9FFFFFFF  }
0xc3: {  	(tm) =	ssettm $0x7FFFFFFF  }
tec
execute0_lowered:
.L_overlay_start_1:
0x0: {  	(tag) =	ssettag $0x1  }
0x1: {  	s0 =	rddreg [dreg:$0x0]  }
0x2: {  	s7 =	rddreg [dreg:$0x1]  }
0x3: {  	s2 =	rddreg [dreg:$0x2];
	s3 =	simm.s32 $0x0  }
0x4: {  	s1 =	stileid.u32;
	s4 =	srdreg.scid;
	s17 =	simm.s32 $0x80  }
0x5: {  	s18 =	simm.s32 $0x2;
	s19 =	simm.s32 $0x4;
	s20 =	simm.s32 $0x2880  }
0x6: {  	s21 =	simm.s32 $0x6900;
	s22 =	simm.s32 $0x0;
	[smem:$0x7FF] =	sst s3  }
0x7: {  	s6 =	smul.u32 $0x14000, s1;
	s8 =	sand.u32 $0x1, s4;
	s10 =	sshll.u32 s1, $0x1  }
0x8: {  	s4 =	sadd.s32 $0x2600, s7;
	s5 =	sadd.s32 $0xC600, s7;
	s26 =	smul.u32 $0x50000, s1  }
0x9: {  	s14 =	sshll.u32 s1, $0x6;
	_ =	strace $0x8000004A;
	s9 =	smul.u32 $0x140000, s8  }
0xa: {  	s10 =	sor.u32 s8, s10;
	s8 =	ssub.s32 $0x2, s8;
	s11 =	sshrl.u32 s6, $0x3  }
0xb: {  	s28 =	sshrl.u32 s8, $0x1;
	s30 =	sshrl.u32 s26, $0x2;
	s9 =	sadd.s32 s6, s9  }
0xc: {  	s6 =	smul.u32 $0x2800, s10;
	s11 =	sadd.s32 s11, s7;
	s13 =	ssub.s32 s8, s28  }
0xd: {  	s31 =	sadd.s32 s30, s2;
	s9 =	sshrl.u32 s9, $0x3;
	s8 =	sadd.s32 $0x5C600, s11  }
0xe: {  	s11 =	smax.u32 s13, $0x1;
	s13 =	sor.u32 $0x1C05, s14;
	s29 =	sshrl.u32 s6, $0x3  }
0xf: {  	s14 =	sshrl.u32 s31, $0x3;
	s12 =	sadd.s32 s9, s7;
	s7 =	sadd.s32 s0, s29  }
0x10: {  	s9 =	sadd.s32 s4, s29;
	s10 =	sadd.s32 $0x84600, s12;
	s12 =	simm.s32 $0x5  }
.LBB2_1:
0x11: {  	[tilespmem:s3], [sflag:$0x5] =	stream.linear.gather [hbm4b:s7+s3], $0x2800, $0x38;
	[tilespmem:$0x1E900] =	vst v63  }
0x12: {  	_ =	swait.ge [sflag:s12], $0x2800  }
0x13: {  	[sflag:s12] =	ssyncset.done $0x0  }
0x14: {  	[sflag:s12] =	ssyncadd.s32 $0xFFFFD800  }
0x15: {  	[spmem:s14], [sflag:s13] =	dma.local [hbm:s8], $0x2800  }
0x16: {  	_ =	swait.ge [sflag:s12], $0x2800  }
0x17: {  	[sflag:s12] =	ssyncset.done $0x0  }
0x18: {  	s0 =	simm.s32 $0x2900;
	s24 =	simm.s32 $0x2800;
	[sflag:s12] =	ssyncadd.s32 $0xFFFFD800  }
0x19: {  	s25 =	simm.s32 $0x1;
	s23 =	sand.u32 $0x7C00, s17;
	[bflag:$0x0] =	sbarrier.arrive $0xFFFF  }
0x1a: {  	[tilespmem:s0], [sflag:$0x1] =	stream.indirect.gather [hbm4b:s5+s17], $0x80, s3, s17, $0xb8;
	[tilespmem:$0x1E900] =	vst v63  }
0x1b: {  	s1 =	simm.s32 $0x0;
	s23 =	sadd.s32 s6, s23;
	s0 =	sand.u32 $0x1, s25  }
0x1c: {  	[tilespmem:s24], [sflag:$0x3] =	stream.linear.gather [hbm4b:s9+s3], $0x80, $0x38;
	[tilespmem:$0x1E900] =	vst v63  }
0x1d: {  	s28 =	sand.u32 $0x1, s1;
	s25 =	sshll.u32 s0, $0xE;
	s24 =	sand.u32 $0x380, s17  }
0x1e: {  	s26 =	sadd.s32 $0x1, s0;
	s25 =	sor.u32 $0x2900, s25;
	s23 =	sor.u32 s24, s23  }
0x1f: {  	[tilespmem:s25], [sflag:s26] =	stream.indirect.gather [hbm4b:s5+s17], $0x80, s17, s17, $0xb8;
	[tilespmem:$0x1E900] =	vst v63  }
0x20: {  	s29 =	sadd.s32 $0x1, s28;
	s26 =	sshll.u32 s0, $0x7;
	s23 =	sshrl.u32 s23, $0x3  }
0x21: {  	s0 =	sadd.s32 $0x3, s0;
	s15 =	sor.u32 $0x2800, s26;
	s23 =	sadd.s32 s4, s23  }
0x22: {  	[tilespmem:s15], [sflag:s0] =	stream.linear.gather [hbm4b:s23+s3], $0x80, $0x38;
	[tilespmem:$0x1E900] =	vst v63  }
0x23: {  	s16 =	sshll.u32 s28, $0x7;
	s1 =	sadd.s32 $0x3, s28;
	_ =	swait.ge [sflag:s29], $0x4000  }
0x24: {  	s31 =	sor.u32 $0x2800, s16;
	s24 =	simm.s32 $0x100;
	[sflag:s29] =	ssyncset.done $0x0  }
0x25: {  	s30 =	sand.u32 $0x7C00, s24;
	s23 =	simm.s32 $0x2;
	[sflag:s29] =	ssyncadd.s32 $0xFFFFC000  }
0x26: {  	s26 =	simm.s32 $0x180;
	s25 =	sand.u32 $0x1, s23;
	_ =	swait.ge [sflag:s1], $0x80  }
0x27: {  	s29 =	sshll.u32 s28, $0xE;
	s28 =	simm.s32 $0x3;
	[sflag:s1] =	ssyncset.done $0x0  }
0x28: {  	s0 =	sor.u32 $0x2900, s29;
	s29 =	sand.u32 $0x380, s24;
	[sflag:s1] =	ssyncadd.s32 $0xFFFFFF80  }
.LBB2_2:
0x29: {  	[spmem:s2] =	stream.indirect.scatter.add.f32 [tilespmem:s0], [sflag:$0x5], $0x80, s31, s17, $0xb8;
	[tilespmem:$0x1E900] =	vst v63  }
0x2a: {  	s1 =	smov.u32 s26;
	s0 =	smov.u32 s23;
	s23 =	smov.u32 s28  }
0x2b: {  	s31 =	sshll.u32 s25, $0xE;
	s15 =	sshll.u32 s25, $0x7;
	_ =	swait.ge [sflag:s12], $0x4000  }
0x2c: {  	s31 =	sor.u32 $0x2900, s31;
	s15 =	sor.u32 $0x2800, s15;
	[sflag:s12] =	ssyncset.done $0x0  }
0x2d: {  	s16 =	sadd.s32 $0x1, s25;
	s30 =	sadd.s32 s6, s30;
	[sflag:s12] =	ssyncadd.s32 $0xFFFFC000  }
0x2e: {  	[tilespmem:s31], [sflag:s16] =	stream.indirect.gather [hbm4b:s5+s17], $0x80, s24, s17, $0xb8;
	[tilespmem:$0x1E900] =	vst v63  }
0x2f: {  	s0 =	sadd.s32 $0xFFFFFFFF, s0;
	s29 =	sor.u32 s29, s30;
	s16 =	sand.u32 $0x1, s28  }
0x30: {  	s25 =	sadd.s32 $0x3, s25;
	s0 =	sand.u32 $0x1, s0;
	s29 =	sshrl.u32 s29, $0x3  }
0x31: {  	s29 =	sadd.s32 s4, s29;
	s30 =	sadd.s32 $0x1, s0;
	s31 =	sshll.u32 s0, $0x7  }
0x32: {  	[tilespmem:s15], [sflag:s25] =	stream.linear.gather [hbm4b:s29+s3], $0x80, $0x38;
	[tilespmem:$0x1E900] =	vst v63  }
0x33: {  	p0 =	sne.s32 s26, $0x2780;
	s26 =	sadd.s32 $0x80, s26;
	_ =	swait.ge [sflag:s30], $0x4000  }
.Ltmp0:
0x34: {  	s15 =	sadd.s32 $0x3, s0;
	[sflag:s30] =	ssyncset.done $0x0;
	(pc) =	sbr.rel @p0 .LBB2_2-.Ltmp0, $4  }
0x35: {  	s24 =	sadd.s32 $0x80, s24;
	s25 =	smov.u32 s16;
	[sflag:s30] =	ssyncadd.s32 $0xFFFFC000  }
0x36: {  	s31 =	sor.u32 $0x2800, s31;
	s0 =	sshll.u32 s0, $0xE;
	_ =	swait.ge [sflag:s15], $0x80  }
0x37: {  	s28 =	sadd.s32 $0x1, s28;
	s0 =	sor.u32 $0x2900, s0;
	[sflag:s15] =	ssyncset.done $0x0  }
0x38: {  	s29 =	sand.u32 $0x380, s1;
	s30 =	sand.u32 $0x7C00, s1;
	[sflag:s15] =	ssyncadd.s32 $0xFFFFFF80  }
0x39: {  	[spmem:s2] =	stream.indirect.scatter.add.f32 [tilespmem:s0], [sflag:$0x5], $0x80, s31, s17, $0xb8;
	[tilespmem:$0x1E900] =	vst v63  }
0x3a: {  	s16 =	sshll.u32 s25, $0xE  }
0x3b: {  	s1 =	sadd.s32 $0x1, s25;
	s15 =	sadd.s32 s6, s30;
	_ =	swait.ge [sflag:s12], $0x4000  }
0x3c: {  	s26 =	sshll.u32 s25, $0x7;
	s28 =	sadd.s32 $0xFFFFFFFF, s23;
	[sflag:s12] =	ssyncset.done $0x0  }
0x3d: {  	s0 =	sor.u32 $0x2900, s16;
	s15 =	sor.u32 s29, s15;
	[sflag:s12] =	ssyncadd.s32 $0xFFFFC000  }
0x3e: {  	[tilespmem:s0], [sflag:s1] =	stream.indirect.gather [hbm4b:s5+s17], $0x80, s24, s17, $0xb8;
	[tilespmem:$0x1E900] =	vst v63  }
0x3f: {  	s16 =	sadd.s32 $0x3, s25;
	s15 =	sshrl.u32 s15, $0x3;
	s1 =	sand.u32 $0x1, s28  }
0x40: {  	s15 =	sadd.s32 s4, s15;
	s0 =	sor.u32 $0x2800, s26;
	s29 =	sadd.s32 $0x1, s1  }
0x41: {  	[tilespmem:s0], [sflag:s16] =	stream.linear.gather [hbm4b:s15+s3], $0x80, $0x38;
	[tilespmem:$0x1E900] =	vst v63  }
0x42: {  	_ =	swait.ge [sflag:s29], $0x4000  }
0x43: {  	[sflag:s29] =	ssyncset.done $0x0  }
0x44: {  	s30 =	sadd.s32 $0x3, s1;
	[sflag:s29] =	ssyncadd.s32 $0xFFFFC000  }
0x45: {  	_ =	swait.ge [sflag:s30], $0x80  }
0x46: {  	s31 =	sshll.u32 s1, $0x7;
	s1 =	sshll.u32 s1, $0xE;
	[sflag:s30] =	ssyncset.done $0x0  }
0x47: {  	s15 =	sor.u32 $0x2800, s31;
	s1 =	sor.u32 $0x2900, s1;
	[sflag:s30] =	ssyncadd.s32 $0xFFFFFF80  }
0x48: {  	[spmem:s2] =	stream.indirect.scatter.add.f32 [tilespmem:s1], [sflag:$0x5], $0x80, s15, s17, $0xb8;
	[tilespmem:$0x1E900] =	vst v63  }
0x49: {  	_ =	swait.ge [sflag:s12], $0x4000  }
0x4a: {  	[sflag:s12] =	ssyncset.done $0x0  }
0x4b: {  	[sflag:s12] =	ssyncadd.s32 $0xFFFFC000  }
0x4c: {  	_ =	swait.ge [sflag:s18], $0x4000  }
0x4d: {  	[sflag:s18] =	ssyncset.done $0x0  }
0x4e: {  	[sflag:s18] =	ssyncadd.s32 $0xFFFFC000  }
0x4f: {  	_ =	swait.ge [sflag:s19], $0x80  }
0x50: {  	[sflag:s19] =	ssyncset.done $0x0  }
0x51: {  	[sflag:s19] =	ssyncadd.s32 $0xFFFFFF80  }
0x52: {  	[spmem:s2] =	stream.indirect.scatter.add.f32 [tilespmem:s21], [sflag:$0x5], $0x80, s20, s17, $0xb8;
	[tilespmem:$0x1E900] =	vst v63  }
0x53: {  	_ =	swait.ge [sflag:s12], $0x4000  }
0x54: {  	s22 =	sadd.s32 $0x1, s22;
	[sflag:s12] =	ssyncset.done $0x0  }
0x55: {  	p0 =	sne.s32 s22, s11;
	[sflag:s12] =	ssyncadd.s32 $0xFFFFC000  }
.Ltmp1:
0x56: {  	[bflag:$0x0] =	sbarrier.arrive $0xFFFF;
	(pc) =	sbr.rel @p0 .LBB2_1-.Ltmp1, $4  }
0x57: {  	[hbm:s10], [sflag:s13] =	dma.local [spmem:s14], $0x2800  }
0x58: {  	_ =	swait.ge [sflag:s12], $0x2800  }
0x59: {  	[sflag:s12] =	ssyncset.done $0x0  }
0x5a: {  	[sflag:s12] =	ssyncadd.s32 $0xFFFFD800  }
0x5b: {  	_ =	sfence.sel $0x180000  }
0x5c: {  	[bflag:$0x0] =	sbarrier.arrive $0xFFFF  }
0x5d: {  	_ =	strace $0x9000004A  }
0x5e: {  	s0 =	stileid.u32;
	[bflag:$0x2] =	sbarrier.arrive $0xFFFF  }
0x5f: {  	p0 =	sne.s32 s0, $0x0;
	s0 =	rddreg [dreg:$0x3]  }
0x60: {  	s0 =	sadd.s32 @!p0 $0x100000, s0  }
0x61: {  	[sflag:s0] =	ssyncadd.tile.s32 @!p0 $0x1;
	_ =	shalt  }
.Lfunc_end2:
_tile_overlayer_lowered:
.L_overlay_start_2:
0x62: {  	(tag) =	ssettag $0x2  }
0x63: {  	s0 =	rddreg [dreg:$0x0];
	s2 =	stileid.u32  }
0x64: {  	s1 =	rddreg [dreg:$0x1];
	p0 =	sne.s32 s2, $0x0  }
0x65: {  	s3 =	rddreg [dreg:$0x2];
	[bflag:$0x3] =	sbarrier.arrive $0xFFFF;
	s2 =	simm.s32 @!p0 $0x1C05  }
0x66: {  	[timem:s3], [sflag:s2] =	dma.local @!p0 [hbm:s0], s1  }
0x67: {  	s0 =	simm.s32 @!p0 $0x5  }
0x68: {  	_ =	swait.ge @!p0 [sflag:s0], s1  }
0x69: {  	s1 =	ssub.s32 @!p0 $0x0, s1;
	[sflag:s0] =	ssyncset.done @!p0 $0x0  }
0x6a: {  	[sflag:s0] =	ssyncadd.s32 @!p0 s1  }
0x6b: {  	[bflag:$0x3] =	sbarrier.arrive $0xFFFF  }
0x6c: {  	_ =	shalt  }

// kernel: kernel.15.cloned.1.call-start
scs
__scs_entry_jumppad:
0x0: {  	(pc) =	sbr.rel $0x88, $3  }
0x1: {  	(tag) =	ssettag $0x0;
	lr =	simm.s32 $0x1  }
0x2: {  	[smem:$0x3F9B] =	sst lr;
	_ =	strace $0xD0000000  }
0x3: {  	_ = 	snop  }
0x4: {  	_ = 	snop  }
0x5: {  	_ = 	snop  }
0x6: {  	_ = 	snop  }
0x7: {  	_ = 	snop  }
__scs_overlays_trampoline_lowered:
0x8: {  	[smem:$0x3FAA] =	sst s0  }
0x9: {  	[smem:$0x3FAB] =	sst s1  }
0xa: {  	[smem:$0x3FAC] =	sst s2  }
0xb: {  	[smem:$0x3FAD] =	sst s3  }
0xc: {  	[smem:$0x3FAE] =	sst s4  }
0xd: {  	[smem:$0x3FAF] =	sst s5  }
0xe: {  	[smem:$0x3FB0] =	sst s6  }
0xf: {  	[smem:$0x3FB1] =	sst s7  }
0x10: {  	[smem:$0x3FB2] =	sst s8  }
0x11: {  	[smem:$0x3FB3] =	sst s9;
	s0 =	simm.s32 @!p0 $0x0  }
0x12: {  	s1 =	sld [smem:$0x3F99];
	s0 =	simm.s32 @p0 $0x1  }
0x13: {  	[smem:$0x3FB4] =	sst s0;
	s0 =	simm.s32 @!p1 $0x0  }
0x14: {  	s2 =	sld [smem:$0x3F98];
	s0 =	simm.s32 @p1 $0x1  }
0x15: {  	[smem:$0x3FB5] =	sst s0;
	s0 =	simm.s32 @!p2 $0x0  }
0x16: {  	s3 =	sld [smem:$0x3FDB];
	s0 =	simm.s32 @p2 $0x1  }
0x17: {  	s4 =	simm.s32 $0x1BF5;
	[smem:$0x3FB7] =	sst s0  }
0x18: {  	s0 =	sld [smem:$0x3F9A];
	_ =	swait.ge [sflag:s4], $0x0  }
0x19: {  	s7 =	sld [smem:$0x3F9B]  }
0x1a: {  	s8 =	sadd.s32 $0xFFFFE003, lr  }
0x1b: {  	s9 =	sadd.s32 $0xFFFFFEF7, lr;
	s5 =	simm.s32 $0xFFFFFFFF;
	p2 =	slt.u32 s8, $0xFFFFF086  }
0x1c: {  	p1 =	slt.u32 s9, $0xF7A;
	s5 =	simm.s32 @!p2 $0x0  }
0x1d: {  	s5 =	simm.s32 @p1 $0x1;
	p0 =	seq.s32 s7, s2  }
0x1e: {  	s7 =	smul.u32 @!p0 $0xF7A, s2;
	p2 =	seq.s32 @!p0 s5, $0x0  }
0x1f: {  	s9 =	smul.u32 $0xF7A, s1;
	s8 =	simm.s32 @!p0 $0x1BF5;
	p2 =	por !p2, p0  }
0x20: {  	[sflag:s8] =	ssyncset.s32 @!p0 $0xFFFFF086;
	s6 =	sadd.s32 @!p0 s3, s7;
	s7 =	simm.s32 @!p0 $0x108  }
0x21: {  	s3 =	sadd.s32 s3, s9;
	s6 =	sadd.s32 @!p0 $0x88, s6;
	s7 =	simm.s32 @p2 $0x1082  }
0x22: {  	[simem:s7], [sflag:s8] =	dma.local @!p0 [hbm:s6], $0xF7A  }
0x23: {  	s9 =	sor.u32 $0xD0000000, s2;
	s6 =	simm.s32 $0x108;
	_ =	swait.ge @!p0 [sflag:s8], $0x0  }
0x24: {  	s3 =	sadd.s32 $0x88, s3;
	s6 =	simm.s32 @!p1 $0x1082;
	[sflag:s4] =	ssyncset.s32 $0xFFFFF086  }
0x25: {  	[simem:s6], [sflag:s4] =	dma.local [hbm:s3], $0xF7A  }
0x26: {  	[smem:$0x3F9B] =	sst s1;
	(tag) =	ssettag s2;
	_ =	strace s9  }
0x27: {  	s1 =	sld [smem:$0x3FAB]  }
0x28: {  	s2 =	sld [smem:$0x3FAC]  }
0x29: {  	s4 =	sld [smem:$0x3FAE]  }
0x2a: {  	p0 =	seq.s32 s5, $0x0;
	s5 =	sld [smem:$0x3FAF]  }
0x2b: {  	s6 =	sld [smem:$0x3FB0]  }
0x2c: {  	s7 =	sld [smem:$0x3FB1]  }
0x2d: {  	s3 =	simm.s32 $0x108;
	s8 =	sld [smem:$0x3FB2]  }
0x2e: {  	s3 =	simm.s32 @!p0 $0x1082;
	s9 =	sld [smem:$0x3FB3]  }
0x2f: {  	lr =	sadd.s32 s0, s3;
	s0 =	sld [smem:$0x3FAA]  }
0x30: {  	s3 =	sld [smem:$0x3FAD]  }
0x31: {  	[smem:$0x3FB6] =	sst s10  }
0x32: {  	s10 =	sld [smem:$0x3FB4];
	_ =	sdelay $0x3  }
0x33: {  	p0 =	seq.s32 s10, $0x1;
	s10 =	sld [smem:$0x3FB6];
	_ =	sdelay $0x3  }
0x34: {  	[smem:$0x3FB6] =	sst s10  }
0x35: {  	s10 =	sld [smem:$0x3FB5];
	_ =	sdelay $0x3  }
0x36: {  	p1 =	seq.s32 s10, $0x1;
	s10 =	sld [smem:$0x3FB6];
	_ =	sdelay $0x3  }
0x37: {  	[smem:$0x3FB6] =	sst s10  }
0x38: {  	s10 =	sld [smem:$0x3FB7]  }
0x39: {  	_ = 	snop;
	(pc) =	sbr.ind lr, $3  }
0x3a: {  	_ = 	snop  }
0x3b: {  	_ = 	snop  }
0x3c: {  	p2 =	seq.s32 s10, $0x1;
	s10 =	sld [smem:$0x3FB6]  }
0x3d: {  	_ =	shalt  }
0x3e: {  	_ =	shalt  }
0x3f: {  	_ =	shalt  }
0x40: {  	_ =	shalt  }
0x41: {  	_ =	shalt  }
0x42: {  	_ =	shalt  }
0x43: {  	_ =	shalt  }
0x44: {  	_ =	shalt  }
0x45: {  	_ =	shalt  }
0x46: {  	_ =	shalt  }
0x47: {  	_ =	shalt  }
0x48: {  	_ =	shalt  }
0x49: {  	_ =	shalt  }
0x4a: {  	_ =	shalt  }
0x4b: {  	_ =	shalt  }
0x4c: {  	_ =	shalt  }
0x4d: {  	_ =	shalt  }
0x4e: {  	_ =	shalt  }
0x4f: {  	_ =	shalt  }
0x50: {  	_ =	shalt  }
0x51: {  	_ =	shalt  }
0x52: {  	_ =	shalt  }
0x53: {  	_ =	shalt  }
0x54: {  	_ =	shalt  }
0x55: {  	_ =	shalt  }
0x56: {  	_ =	shalt  }
0x57: {  	_ =	shalt  }
0x58: {  	_ =	shalt  }
0x59: {  	_ =	shalt  }
0x5a: {  	_ =	shalt  }
0x5b: {  	_ =	shalt  }
0x5c: {  	_ =	shalt  }
0x5d: {  	_ =	shalt  }
0x5e: {  	_ =	shalt  }
0x5f: {  	_ =	shalt  }
0x60: {  	_ =	shalt  }
0x61: {  	_ =	shalt  }
0x62: {  	_ =	shalt  }
0x63: {  	_ =	shalt  }
0x64: {  	_ =	shalt  }
0x65: {  	_ =	shalt  }
0x66: {  	_ =	shalt  }
0x67: {  	_ =	shalt  }
0x68: {  	_ =	shalt  }
0x69: {  	_ =	shalt  }
0x6a: {  	_ =	shalt  }
0x6b: {  	_ =	shalt  }
0x6c: {  	_ =	shalt  }
0x6d: {  	_ =	shalt  }
0x6e: {  	_ =	shalt  }
0x6f: {  	_ =	shalt  }
0x70: {  	_ =	shalt  }
0x71: {  	_ =	shalt  }
0x72: {  	_ =	shalt  }
0x73: {  	_ =	shalt  }
0x74: {  	_ =	shalt  }
0x75: {  	_ =	shalt  }
0x76: {  	_ =	shalt  }
0x77: {  	_ =	shalt  }
0x78: {  	_ =	shalt  }
0x79: {  	_ =	shalt  }
0x7a: {  	_ =	shalt  }
0x7b: {  	_ =	shalt  }
0x7c: {  	_ =	shalt  }
0x7d: {  	_ =	shalt  }
0x7e: {  	_ =	shalt  }
0x7f: {  	_ =	shalt  }
0x80: {  	_ =	shalt  }
0x81: {  	_ =	shalt  }
0x82: {  	_ =	shalt  }
0x83: {  	_ =	shalt  }
0x84: {  	_ =	shalt  }
0x85: {  	_ =	shalt  }
0x86: {  	_ =	shalt  }
0x87: {  	_ =	shalt  }
.Lfunc_end0:
.L_simem_size_0:
called_computation.2_lowered:
.L_overlay_start_0:
0x88: {  	s2 =	sld [smem:$0x3FD9]  }
0x89: {  	s3 =	sld [smem:$0x3FFE];
	_ =	sdelay $0x1  }
0x8a: {  	s1 =	srdreg.scid  }
0x8b: {  	s0 =	sand.u32 $0x1, s1  }
0x8c: {  	s17 =	sshll.u32 s0, $0xA;
	s2 =	sadd.s32 s3, s2  }
0x8d: {  	s2 =	sadd.s32 s2, s17  }
0x8e: {  	[smem:$0x3FC2] =	sst s2  }
0x8f: {  	_ = 	snop  }
0x90: {  	s2 =	sld [smem:$0x3FD0];
	(tm) =	ssettm $0x1  }
0x91: {  	s18 =	sld [smem:$0x3FFB];
	_ =	sdelay $0x3  }
0x92: {  	_ =	strace s18  }
0x93: {  	s3 =	sld [smem:$0x3FFC];
	_ =	sdelay $0x3  }
0x94: {  	_ =	strace s3  }
0x95: {  	s3 =	sld [smem:$0x3FFD];
	_ =	sdelay $0x3  }
0x96: {  	_ =	strace s3  }
0x97: {  	_ =	strace $0x8FFFFFFF  }
0x98: {  	s19 =	sld [smem:$0x3FDB];
	_ =	sdelay $0x1  }
0x99: {  	s4 =	simm.s32 $_scs_section_size  }
0x9a: {  	s5 =	simm.s32 $_size__tile_overlayer_lowered;
	s6 =	simm.s32 $_tile_overlayer_lowered  }
0x9b: {  	s22 =	simm.s32 $0x1BFF;
	s21 =	sshll.u32 s6, $0x1;
	s3 =	sadd.s32 s4, s19  }
0x9c: {  	s7 =	simm.s32 $0x0;
	s20 =	sshll.u32 s5, $0x1;
	s5 =	sadd.s32 s21, s3  }
0x9d: {  	[timem:s7], [sflag:s22] =	dma.local [hbm:s5], s20  }
0x9e: {  	_ =	swait.ge [sflag:s22], s20  }
0x9f: {  	s4 =	ssub.s32 $0x0, s20;
	[sflag:s22] =	ssyncset.done $0x0  }
0xa0: {  	[sflag:s22] =	ssyncadd.s32 s4;
	_ =	sdelay $0x1  }
0xa1: {  	s23 =	simm.s32 $0x1B8B  }
0xa2: {  	_ =	swait.ge [sflag:s23], $0x1  }
0xa3: {  	[sflag:s23] =	ssyncset.done $0x0  }
0xa4: {  	s25 =	simm.s32 $0x1B8E;
	s24 =	sld [smem:$0x3FFE];
	[sflag:s23] =	ssyncadd.s32 $0xFFFFFFFF  }
0xa5: {  	s26 =	simm.s32 $execute0_lowered;
	[smem:$0x3FD2] =	sst s25  }
0xa6: {  	s5 =	sshll.u32 s26, $0x1;
	_ =	strace $0x8000004C;
	[dreg:$0x1] =	wrdreg $0xFFFFFFFF  }
0xa7: {  	s28 =	simm.s32 $_size_execute0_lowered;
	s3 =	sadd.s32 s3, s5;
	[dreg:$0x0] =	wrdreg $0x0  }
0xa8: {  	s5 =	sshll.u32 s28, $0x1;
	[dreg:$0x2] =	wrdreg s3  }
0xa9: {  	[dreg:$0x3] =	wrdreg s5  }
0xaa: {  	[dreg:$0x4] =	wrdreg $0xC0  }
0xab: {  	_ =	task [dreg:s7], $0x5FFFF  }
0xac: {  	[dreg:$0x1] =	wrdreg $0xFFFFFFFF  }
0xad: {  	[dreg:$0x0] =	wrdreg $0x60  }
0xae: {  	[dreg:$0x2] =	wrdreg s2  }
0xaf: {  	[dreg:$0x3] =	wrdreg s24  }
0xb0: {  	[dreg:$0x4] =	wrdreg $0xA9000  }
0xb1: {  	[dreg:$0x5] =	wrdreg $0x9  }
0xb2: {  	_ =	task.clear_ibuf [dreg:s7], $0x6FFFF;
	_ =	strace $0x9000004C  }
0xb3: {  	s29 =	simm.s32 $0x9;
	_ =	strace $0x8000004E  }
0xb4: {  	_ =	swait.ge [sflag:s29], $0x1  }
0xb5: {  	[sflag:s29] =	ssyncadd.s32 $0xFFFFFFFF  }
0xb6: {  	_ =	strace $0x9000004E  }
0xb7: {  	_ =	sfence  }
0xb8: {  	s30 =	sld [smem:$0x0];
	_ =	sdelay $0x2  }
0xb9: {  	s31 =	sshll.u32 s1, $0xD;
	s1 =	sshrl.u32 s1, $0x2  }
0xba: {  	s3 =	sand.u32 $0x4000, s31;
	s1 =	sadd.s32 s1, s30  }
0xbb: {  	s0 =	sor.u32 s3, s0;
	s1 =	sshll.u32 s1, $0x11  }
0xbc: {  	s0 =	sor.u32 s1, s0  }
0xbd: {  	s0 =	sadd.s32 $0x8F2B, s0  }
0xbe: {  	[sflag:s0] =	ssyncadd.remote.s32 $0x1  }
0xbf: {  	_ =	sfence.sel $0xFFFF  }
0xc0: {  	[dreg:$0x0] =	wrdreg $0xFFFFFFFF;
	(pc) =	sbr.abs _section_cstart, $3  }
0xc1: {  	[dreg:$0x1] =	wrdreg $0xFFFFFFFF  }
0xc2: {  	_ =	task.clear_ibuf [dreg:s7], $0x2FFFF;
	_ =	strace $0x9FFFFFFF  }
0xc3: {  	(tm) =	ssettm $0x7FFFFFFF  }
tec
execute0_lowered:
.L_overlay_start_1:
0x0: {  	(tag) =	ssettag $0x1  }
0x1: {  	s0 =	rddreg [dreg:$0x0]  }
0x2: {  	s7 =	rddreg [dreg:$0x1]  }
0x3: {  	s2 =	rddreg [dreg:$0x2];
	s3 =	simm.s32 $0x0  }
0x4: {  	s1 =	stileid.u32;
	s4 =	srdreg.scid;
	s17 =	simm.s32 $0x80  }
0x5: {  	s18 =	simm.s32 $0x2;
	s19 =	simm.s32 $0x4;
	s20 =	simm.s32 $0x2880  }
0x6: {  	s21 =	simm.s32 $0x6900;
	s22 =	simm.s32 $0x0;
	[smem:$0x7FF] =	sst s3  }
0x7: {  	s6 =	smul.u32 $0x14000, s1;
	s8 =	sand.u32 $0x1, s4;
	s10 =	sshll.u32 s1, $0x1  }
0x8: {  	s4 =	sadd.s32 $0x2600, s7;
	s5 =	sadd.s32 $0xC600, s7;
	s26 =	smul.u32 $0x50000, s1  }
0x9: {  	s14 =	sshll.u32 s1, $0x6;
	_ =	strace $0x8000004D;
	s9 =	smul.u32 $0x140000, s8  }
0xa: {  	s10 =	sor.u32 s8, s10;
	s8 =	ssub.s32 $0x2, s8;
	s11 =	sshrl.u32 s6, $0x3  }
0xb: {  	s28 =	sshrl.u32 s8, $0x1;
	s30 =	sshrl.u32 s26, $0x2;
	s9 =	sadd.s32 s6, s9  }
0xc: {  	s6 =	smul.u32 $0x2800, s10;
	s11 =	sadd.s32 s11, s7;
	s13 =	ssub.s32 s8, s28  }
0xd: {  	s31 =	sadd.s32 s30, s2;
	s9 =	sshrl.u32 s9, $0x3;
	s8 =	sadd.s32 $0x5C600, s11  }
0xe: {  	s11 =	smax.u32 s13, $0x1;
	s13 =	sor.u32 $0x1C05, s14;
	s29 =	sshrl.u32 s6, $0x3  }
0xf: {  	s14 =	sshrl.u32 s31, $0x3;
	s12 =	sadd.s32 s9, s7;
	s7 =	sadd.s32 s0, s29  }
0x10: {  	s9 =	sadd.s32 s4, s29;
	s10 =	sadd.s32 $0x84600, s12;
	s12 =	simm.s32 $0x5  }
.LBB2_1:
0x11: {  	[tilespmem:s3], [sflag:$0x5] =	stream.linear.gather [hbm4b:s7+s3], $0x2800, $0x38;
	[tilespmem:$0x1E900] =	vst v63  }
0x12: {  	_ =	swait.ge [sflag:s12], $0x2800  }
0x13: {  	[sflag:s12] =	ssyncset.done $0x0  }
0x14: {  	[sflag:s12] =	ssyncadd.s32 $0xFFFFD800  }
0x15: {  	[spmem:s14], [sflag:s13] =	dma.local [hbm:s8], $0x2800  }
0x16: {  	_ =	swait.ge [sflag:s12], $0x2800  }
0x17: {  	[sflag:s12] =	ssyncset.done $0x0  }
0x18: {  	s0 =	simm.s32 $0x2900;
	s24 =	simm.s32 $0x2800;
	[sflag:s12] =	ssyncadd.s32 $0xFFFFD800  }
0x19: {  	s25 =	simm.s32 $0x1;
	s23 =	sand.u32 $0x7C00, s17;
	[bflag:$0x0] =	sbarrier.arrive $0xFFFF  }
0x1a: {  	[tilespmem:s0], [sflag:$0x1] =	stream.indirect.gather [hbm4b:s5+s17], $0x80, s3, s17, $0xb8;
	[tilespmem:$0x1E900] =	vst v63  }
0x1b: {  	s1 =	simm.s32 $0x0;
	s23 =	sadd.s32 s6, s23;
	s0 =	sand.u32 $0x1, s25  }
0x1c: {  	[tilespmem:s24], [sflag:$0x3] =	stream.linear.gather [hbm4b:s9+s3], $0x80, $0x38;
	[tilespmem:$0x1E900] =	vst v63  }
0x1d: {  	s28 =	sand.u32 $0x1, s1;
	s25 =	sshll.u32 s0, $0xE;
	s24 =	sand.u32 $0x380, s17  }
0x1e: {  	s26 =	sadd.s32 $0x1, s0;
	s25 =	sor.u32 $0x2900, s25;
	s23 =	sor.u32 s24, s23  }
0x1f: {  	[tilespmem:s25], [sflag:s26] =	stream.indirect.gather [hbm4b:s5+s17], $0x80, s17, s17, $0xb8;
	[tilespmem:$0x1E900] =	vst v63  }
0x20: {  	s29 =	sadd.s32 $0x1, s28;
	s26 =	sshll.u32 s0, $0x7;
	s23 =	sshrl.u32 s23, $0x3  }
0x21: {  	s0 =	sadd.s32 $0x3, s0;
	s15 =	sor.u32 $0x2800, s26;
	s23 =	sadd.s32 s4, s23  }
0x22: {  	[tilespmem:s15], [sflag:s0] =	stream.linear.gather [hbm4b:s23+s3], $0x80, $0x38;
	[tilespmem:$0x1E900] =	vst v63  }
0x23: {  	s16 =	sshll.u32 s28, $0x7;
	s1 =	sadd.s32 $0x3, s28;
	_ =	swait.ge [sflag:s29], $0x4000  }
0x24: {  	s31 =	sor.u32 $0x2800, s16;
	s24 =	simm.s32 $0x100;
	[sflag:s29] =	ssyncset.done $0x0  }
0x25: {  	s30 =	sand.u32 $0x7C00, s24;
	s23 =	simm.s32 $0x2;
	[sflag:s29] =	ssyncadd.s32 $0xFFFFC000  }
0x26: {  	s26 =	simm.s32 $0x180;
	s25 =	sand.u32 $0x1, s23;
	_ =	swait.ge [sflag:s1], $0x80  }
0x27: {  	s29 =	sshll.u32 s28, $0xE;
	s28 =	simm.s32 $0x3;
	[sflag:s1] =	ssyncset.done $0x0  }
0x28: {  	s0 =	sor.u32 $0x2900, s29;
	s29 =	sand.u32 $0x380, s24;
	[sflag:s1] =	ssyncadd.s32 $0xFFFFFF80  }
.LBB2_2:
0x29: {  	[spmem:s2] =	stream.indirect.scatter.add.f32 [tilespmem:s0], [sflag:$0x5], $0x80, s31, s17, $0xb8;
	[tilespmem:$0x1E900] =	vst v63  }
0x2a: {  	s1 =	smov.u32 s26;
	s0 =	smov.u32 s23;
	s23 =	smov.u32 s28  }
0x2b: {  	s31 =	sshll.u32 s25, $0xE;
	s15 =	sshll.u32 s25, $0x7;
	_ =	swait.ge [sflag:s12], $0x4000  }
0x2c: {  	s31 =	sor.u32 $0x2900, s31;
	s15 =	sor.u32 $0x2800, s15;
	[sflag:s12] =	ssyncset.done $0x0  }
0x2d: {  	s16 =	sadd.s32 $0x1, s25;
	s30 =	sadd.s32 s6, s30;
	[sflag:s12] =	ssyncadd.s32 $0xFFFFC000  }
0x2e: {  	[tilespmem:s31], [sflag:s16] =	stream.indirect.gather [hbm4b:s5+s17], $0x80, s24, s17, $0xb8;
	[tilespmem:$0x1E900] =	vst v63  }
0x2f: {  	s0 =	sadd.s32 $0xFFFFFFFF, s0;
	s29 =	sor.u32 s29, s30;
	s16 =	sand.u32 $0x1, s28  }
0x30: {  	s25 =	sadd.s32 $0x3, s25;
	s0 =	sand.u32 $0x1, s0;
	s29 =	sshrl.u32 s29, $0x3  }
0x31: {  	s29 =	sadd.s32 s4, s29;
	s30 =	sadd.s32 $0x1, s0;
	s31 =	sshll.u32 s0, $0x7  }
0x32: {  	[tilespmem:s15], [sflag:s25] =	stream.linear.gather [hbm4b:s29+s3], $0x80, $0x38;
	[tilespmem:$0x1E900] =	vst v63  }
0x33: {  	p0 =	sne.s32 s26, $0x2780;
	s26 =	sadd.s32 $0x80, s26;
	_ =	swait.ge [sflag:s30], $0x4000  }
.Ltmp0:
0x34: {  	s15 =	sadd.s32 $0x3, s0;
	[sflag:s30] =	ssyncset.done $0x0;
	(pc) =	sbr.rel @p0 .LBB2_2-.Ltmp0, $4  }
0x35: {  	s24 =	sadd.s32 $0x80, s24;
	s25 =	smov.u32 s16;
	[sflag:s30] =	ssyncadd.s32 $0xFFFFC000  }
0x36: {  	s31 =	sor.u32 $0x2800, s31;
	s0 =	sshll.u32 s0, $0xE;
	_ =	swait.ge [sflag:s15], $0x80  }
0x37: {  	s28 =	sadd.s32 $0x1, s28;
	s0 =	sor.u32 $0x2900, s0;
	[sflag:s15] =	ssyncset.done $0x0  }
0x38: {  	s29 =	sand.u32 $0x380, s1;
	s30 =	sand.u32 $0x7C00, s1;
	[sflag:s15] =	ssyncadd.s32 $0xFFFFFF80  }
0x39: {  	[spmem:s2] =	stream.indirect.scatter.add.f32 [tilespmem:s0], [sflag:$0x5], $0x80, s31, s17, $0xb8;
	[tilespmem:$0x1E900] =	vst v63  }
0x3a: {  	s16 =	sshll.u32 s25, $0xE  }
0x3b: {  	s1 =	sadd.s32 $0x1, s25;
	s15 =	sadd.s32 s6, s30;
	_ =	swait.ge [sflag:s12], $0x4000  }
0x3c: {  	s26 =	sshll.u32 s25, $0x7;
	s28 =	sadd.s32 $0xFFFFFFFF, s23;
	[sflag:s12] =	ssyncset.done $0x0  }
0x3d: {  	s0 =	sor.u32 $0x2900, s16;
	s15 =	sor.u32 s29, s15;
	[sflag:s12] =	ssyncadd.s32 $0xFFFFC000  }
0x3e: {  	[tilespmem:s0], [sflag:s1] =	stream.indirect.gather [hbm4b:s5+s17], $0x80, s24, s17, $0xb8;
	[tilespmem:$0x1E900] =	vst v63  }
0x3f: {  	s16 =	sadd.s32 $0x3, s25;
	s15 =	sshrl.u32 s15, $0x3;
	s1 =	sand.u32 $0x1, s28  }
0x40: {  	s15 =	sadd.s32 s4, s15;
	s0 =	sor.u32 $0x2800, s26;
	s29 =	sadd.s32 $0x1, s1  }
0x41: {  	[tilespmem:s0], [sflag:s16] =	stream.linear.gather [hbm4b:s15+s3], $0x80, $0x38;
	[tilespmem:$0x1E900] =	vst v63  }
0x42: {  	_ =	swait.ge [sflag:s29], $0x4000  }
0x43: {  	[sflag:s29] =	ssyncset.done $0x0  }
0x44: {  	s30 =	sadd.s32 $0x3, s1;
	[sflag:s29] =	ssyncadd.s32 $0xFFFFC000  }
0x45: {  	_ =	swait.ge [sflag:s30], $0x80  }
0x46: {  	s31 =	sshll.u32 s1, $0x7;
	s1 =	sshll.u32 s1, $0xE;
	[sflag:s30] =	ssyncset.done $0x0  }
0x47: {  	s15 =	sor.u32 $0x2800, s31;
	s1 =	sor.u32 $0x2900, s1;
	[sflag:s30] =	ssyncadd.s32 $0xFFFFFF80  }
0x48: {  	[spmem:s2] =	stream.indirect.scatter.add.f32 [tilespmem:s1], [sflag:$0x5], $0x80, s15, s17, $0xb8;
	[tilespmem:$0x1E900] =	vst v63  }
0x49: {  	_ =	swait.ge [sflag:s12], $0x4000  }
0x4a: {  	[sflag:s12] =	ssyncset.done $0x0  }
0x4b: {  	[sflag:s12] =	ssyncadd.s32 $0xFFFFC000  }
0x4c: {  	_ =	swait.ge [sflag:s18], $0x4000  }
0x4d: {  	[sflag:s18] =	ssyncset.done $0x0  }
0x4e: {  	[sflag:s18] =	ssyncadd.s32 $0xFFFFC000  }
0x4f: {  	_ =	swait.ge [sflag:s19], $0x80  }
0x50: {  	[sflag:s19] =	ssyncset.done $0x0  }
0x51: {  	[sflag:s19] =	ssyncadd.s32 $0xFFFFFF80  }
0x52: {  	[spmem:s2] =	stream.indirect.scatter.add.f32 [tilespmem:s21], [sflag:$0x5], $0x80, s20, s17, $0xb8;
	[tilespmem:$0x1E900] =	vst v63  }
0x53: {  	_ =	swait.ge [sflag:s12], $0x4000  }
0x54: {  	s22 =	sadd.s32 $0x1, s22;
	[sflag:s12] =	ssyncset.done $0x0  }
0x55: {  	p0 =	sne.s32 s22, s11;
	[sflag:s12] =	ssyncadd.s32 $0xFFFFC000  }
.Ltmp1:
0x56: {  	[bflag:$0x0] =	sbarrier.arrive $0xFFFF;
	(pc) =	sbr.rel @p0 .LBB2_1-.Ltmp1, $4  }
0x57: {  	[hbm:s10], [sflag:s13] =	dma.local [spmem:s14], $0x2800  }
0x58: {  	_ =	swait.ge [sflag:s12], $0x2800  }
0x59: {  	[sflag:s12] =	ssyncset.done $0x0  }
0x5a: {  	[sflag:s12] =	ssyncadd.s32 $0xFFFFD800  }
0x5b: {  	_ =	sfence.sel $0x180000  }
0x5c: {  	[bflag:$0x0] =	sbarrier.arrive $0xFFFF  }
0x5d: {  	_ =	strace $0x9000004D  }
0x5e: {  	s0 =	stileid.u32;
	[bflag:$0x2] =	sbarrier.arrive $0xFFFF  }
0x5f: {  	p0 =	sne.s32 s0, $0x0;
	s0 =	rddreg [dreg:$0x3]  }
0x60: {  	s0 =	sadd.s32 @!p0 $0x100000, s0  }
0x61: {  	[sflag:s0] =	ssyncadd.tile.s32 @!p0 $0x1;
	_ =	shalt  }
.Lfunc_end2:
_tile_overlayer_lowered:
.L_overlay_start_2:
0x62: {  	(tag) =	ssettag $0x2  }
0x63: {  	s0 =	rddreg [dreg:$0x0];
	s2 =	stileid.u32  }
0x64: {  	s1 =	rddreg [dreg:$0x1];
	p0 =	sne.s32 s2, $0x0  }
0x65: {  	s3 =	rddreg [dreg:$0x2];
	[bflag:$0x3] =	sbarrier.arrive $0xFFFF;
	s2 =	simm.s32 @!p0 $0x1C05  }
0x66: {  	[timem:s3], [sflag:s2] =	dma.local @!p0 [hbm:s0], s1  }
0x67: {  	s0 =	simm.s32 @!p0 $0x5  }
0x68: {  	_ =	swait.ge @!p0 [sflag:s0], s1  }
0x69: {  	s1 =	ssub.s32 @!p0 $0x0, s1;
	[sflag:s0] =	ssyncset.done @!p0 $0x0  }
0x6a: {  	[sflag:s0] =	ssyncadd.s32 @!p0 s1  }
0x6b: {  	[bflag:$0x3] =	sbarrier.arrive $0xFFFF  }
0x6c: {  	_ =	shalt  }

// kernel: kernel.9.cloned.1.call-start
scs
__scs_entry_jumppad:
0x0: {  	(pc) =	sbr.rel $0x88, $3  }
0x1: {  	(tag) =	ssettag $0x0;
	lr =	simm.s32 $0x1  }
0x2: {  	[smem:$0x3F9B] =	sst lr;
	_ =	strace $0xD0000000  }
0x3: {  	_ = 	snop  }
0x4: {  	_ = 	snop  }
0x5: {  	_ = 	snop  }
0x6: {  	_ = 	snop  }
0x7: {  	_ = 	snop  }
__scs_overlays_trampoline_lowered:
0x8: {  	[smem:$0x3FAA] =	sst s0  }
0x9: {  	[smem:$0x3FAB] =	sst s1  }
0xa: {  	[smem:$0x3FAC] =	sst s2  }
0xb: {  	[smem:$0x3FAD] =	sst s3  }
0xc: {  	[smem:$0x3FAE] =	sst s4  }
0xd: {  	[smem:$0x3FAF] =	sst s5  }
0xe: {  	[smem:$0x3FB0] =	sst s6  }
0xf: {  	[smem:$0x3FB1] =	sst s7  }
0x10: {  	[smem:$0x3FB2] =	sst s8  }
0x11: {  	[smem:$0x3FB3] =	sst s9;
	s0 =	simm.s32 @!p0 $0x0  }
0x12: {  	s1 =	sld [smem:$0x3F99];
	s0 =	simm.s32 @p0 $0x1  }
0x13: {  	[smem:$0x3FB4] =	sst s0;
	s0 =	simm.s32 @!p1 $0x0  }
0x14: {  	s2 =	sld [smem:$0x3F98];
	s0 =	simm.s32 @p1 $0x1  }
0x15: {  	[smem:$0x3FB5] =	sst s0;
	s0 =	simm.s32 @!p2 $0x0  }
0x16: {  	s3 =	sld [smem:$0x3FDB];
	s0 =	simm.s32 @p2 $0x1  }
0x17: {  	s4 =	simm.s32 $0x1BF5;
	[smem:$0x3FB7] =	sst s0  }
0x18: {  	s0 =	sld [smem:$0x3F9A];
	_ =	swait.ge [sflag:s4], $0x0  }
0x19: {  	s7 =	sld [smem:$0x3F9B]  }
0x1a: {  	s8 =	sadd.s32 $0xFFFFE003, lr  }
0x1b: {  	s9 =	sadd.s32 $0xFFFFFEF7, lr;
	s5 =	simm.s32 $0xFFFFFFFF;
	p2 =	slt.u32 s8, $0xFFFFF086  }
0x1c: {  	p1 =	slt.u32 s9, $0xF7A;
	s5 =	simm.s32 @!p2 $0x0  }
0x1d: {  	s5 =	simm.s32 @p1 $0x1;
	p0 =	seq.s32 s7, s2  }
0x1e: {  	s7 =	smul.u32 @!p0 $0xF7A, s2;
	p2 =	seq.s32 @!p0 s5, $0x0  }
0x1f: {  	s9 =	smul.u32 $0xF7A, s1;
	s8 =	simm.s32 @!p0 $0x1BF5;
	p2 =	por !p2, p0  }
0x20: {  	[sflag:s8] =	ssyncset.s32 @!p0 $0xFFFFF086;
	s6 =	sadd.s32 @!p0 s3, s7;
	s7 =	simm.s32 @!p0 $0x108  }
0x21: {  	s3 =	sadd.s32 s3, s9;
	s6 =	sadd.s32 @!p0 $0x88, s6;
	s7 =	simm.s32 @p2 $0x1082  }
0x22: {  	[simem:s7], [sflag:s8] =	dma.local @!p0 [hbm:s6], $0xF7A  }
0x23: {  	s9 =	sor.u32 $0xD0000000, s2;
	s6 =	simm.s32 $0x108;
	_ =	swait.ge @!p0 [sflag:s8], $0x0  }
0x24: {  	s3 =	sadd.s32 $0x88, s3;
	s6 =	simm.s32 @!p1 $0x1082;
	[sflag:s4] =	ssyncset.s32 $0xFFFFF086  }
0x25: {  	[simem:s6], [sflag:s4] =	dma.local [hbm:s3], $0xF7A  }
0x26: {  	[smem:$0x3F9B] =	sst s1;
	(tag) =	ssettag s2;
	_ =	strace s9  }
0x27: {  	s1 =	sld [smem:$0x3FAB]  }
0x28: {  	s2 =	sld [smem:$0x3FAC]  }
0x29: {  	s4 =	sld [smem:$0x3FAE]  }
0x2a: {  	p0 =	seq.s32 s5, $0x0;
	s5 =	sld [smem:$0x3FAF]  }
0x2b: {  	s6 =	sld [smem:$0x3FB0]  }
0x2c: {  	s7 =	sld [smem:$0x3FB1]  }
0x2d: {  	s3 =	simm.s32 $0x108;
	s8 =	sld [smem:$0x3FB2]  }
0x2e: {  	s3 =	simm.s32 @!p0 $0x1082;
	s9 =	sld [smem:$0x3FB3]  }
0x2f: {  	lr =	sadd.s32 s0, s3;
	s0 =	sld [smem:$0x3FAA]  }
0x30: {  	s3 =	sld [smem:$0x3FAD]  }
0x31: {  	[smem:$0x3FB6] =	sst s10  }
0x32: {  	s10 =	sld [smem:$0x3FB4];
	_ =	sdelay $0x3  }
0x33: {  	p0 =	seq.s32 s10, $0x1;
	s10 =	sld [smem:$0x3FB6];
	_ =	sdelay $0x3  }
0x34: {  	[smem:$0x3FB6] =	sst s10  }
0x35: {  	s10 =	sld [smem:$0x3FB5];
	_ =	sdelay $0x3  }
0x36: {  	p1 =	seq.s32 s10, $0x1;
	s10 =	sld [smem:$0x3FB6];
	_ =	sdelay $0x3  }
0x37: {  	[smem:$0x3FB6] =	sst s10  }
0x38: {  	s10 =	sld [smem:$0x3FB7]  }
0x39: {  	_ = 	snop;
	(pc) =	sbr.ind lr, $3  }
0x3a: {  	_ = 	snop  }
0x3b: {  	_ = 	snop  }
0x3c: {  	p2 =	seq.s32 s10, $0x1;
	s10 =	sld [smem:$0x3FB6]  }
0x3d: {  	_ =	shalt  }
0x3e: {  	_ =	shalt  }
0x3f: {  	_ =	shalt  }
0x40: {  	_ =	shalt  }
0x41: {  	_ =	shalt  }
0x42: {  	_ =	shalt  }
0x43: {  	_ =	shalt  }
0x44: {  	_ =	shalt  }
0x45: {  	_ =	shalt  }
0x46: {  	_ =	shalt  }
0x47: {  	_ =	shalt  }
0x48: {  	_ =	shalt  }
0x49: {  	_ =	shalt  }
0x4a: {  	_ =	shalt  }
0x4b: {  	_ =	shalt  }
0x4c: {  	_ =	shalt  }
0x4d: {  	_ =	shalt  }
0x4e: {  	_ =	shalt  }
0x4f: {  	_ =	shalt  }
0x50: {  	_ =	shalt  }
0x51: {  	_ =	shalt  }
0x52: {  	_ =	shalt  }
0x53: {  	_ =	shalt  }
0x54: {  	_ =	shalt  }
0x55: {  	_ =	shalt  }
0x56: {  	_ =	shalt  }
0x57: {  	_ =	shalt  }
0x58: {  	_ =	shalt  }
0x59: {  	_ =	shalt  }
0x5a: {  	_ =	shalt  }
0x5b: {  	_ =	shalt  }
0x5c: {  	_ =	shalt  }
0x5d: {  	_ =	shalt  }
0x5e: {  	_ =	shalt  }
0x5f: {  	_ =	shalt  }
0x60: {  	_ =	shalt  }
0x61: {  	_ =	shalt  }
0x62: {  	_ =	shalt  }
0x63: {  	_ =	shalt  }
0x64: {  	_ =	shalt  }
0x65: {  	_ =	shalt  }
0x66: {  	_ =	shalt  }
0x67: {  	_ =	shalt  }
0x68: {  	_ =	shalt  }
0x69: {  	_ =	shalt  }
0x6a: {  	_ =	shalt  }
0x6b: {  	_ =	shalt  }
0x6c: {  	_ =	shalt  }
0x6d: {  	_ =	shalt  }
0x6e: {  	_ =	shalt  }
0x6f: {  	_ =	shalt  }
0x70: {  	_ =	shalt  }
0x71: {  	_ =	shalt  }
0x72: {  	_ =	shalt  }
0x73: {  	_ =	shalt  }
0x74: {  	_ =	shalt  }
0x75: {  	_ =	shalt  }
0x76: {  	_ =	shalt  }
0x77: {  	_ =	shalt  }
0x78: {  	_ =	shalt  }
0x79: {  	_ =	shalt  }
0x7a: {  	_ =	shalt  }
0x7b: {  	_ =	shalt  }
0x7c: {  	_ =	shalt  }
0x7d: {  	_ =	shalt  }
0x7e: {  	_ =	shalt  }
0x7f: {  	_ =	shalt  }
0x80: {  	_ =	shalt  }
0x81: {  	_ =	shalt  }
0x82: {  	_ =	shalt  }
0x83: {  	_ =	shalt  }
0x84: {  	_ =	shalt  }
0x85: {  	_ =	shalt  }
0x86: {  	_ =	shalt  }
0x87: {  	_ =	shalt  }
.Lfunc_end0:
.L_simem_size_0:
called_computation_lowered:
.L_overlay_start_0:
0x88: {  	s2 =	sld [smem:$0x3FD9]  }
0x89: {  	s3 =	sld [smem:$0x3FFE];
	_ =	sdelay $0x1  }
0x8a: {  	s1 =	srdreg.scid  }
0x8b: {  	s0 =	sand.u32 $0x1, s1  }
0x8c: {  	s16 =	sshll.u32 s0, $0xA;
	s2 =	sadd.s32 s3, s2  }
0x8d: {  	s2 =	sadd.s32 s2, s16  }
0x8e: {  	[smem:$0x3FC2] =	sst s2  }
0x8f: {  	_ = 	snop  }
0x90: {  	(tm) =	ssettm $0x1  }
0x91: {  	s17 =	sld [smem:$0x3FFB];
	_ =	sdelay $0x3  }
0x92: {  	_ =	strace s17  }
0x93: {  	s2 =	sld [smem:$0x3FFC];
	_ =	sdelay $0x3  }
0x94: {  	_ =	strace s2  }
0x95: {  	s2 =	sld [smem:$0x3FFD];
	_ =	sdelay $0x3  }
0x96: {  	_ =	strace s2  }
0x97: {  	_ =	strace $0x8FFFFFFF  }
0x98: {  	s18 =	sld [smem:$0x3FDB];
	_ =	sdelay $0x1  }
0x99: {  	s19 =	simm.s32 $_scs_section_size  }
0x9a: {  	s4 =	simm.s32 $_size__tile_overlayer_lowered;
	s5 =	simm.s32 $_tile_overlayer_lowered  }
0x9b: {  	s22 =	simm.s32 $0x1BFF;
	s21 =	sshll.u32 s5, $0x1;
	s2 =	sadd.s32 s19, s18  }
0x9c: {  	s6 =	simm.s32 $0x0;
	s20 =	sshll.u32 s4, $0x1;
	s4 =	sadd.s32 s21, s2  }
0x9d: {  	[timem:s6], [sflag:s22] =	dma.local [hbm:s4], s20  }
0x9e: {  	_ =	swait.ge [sflag:s22], s20  }
0x9f: {  	s3 =	ssub.s32 $0x0, s20;
	[sflag:s22] =	ssyncset.done $0x0  }
0xa0: {  	[sflag:s22] =	ssyncadd.s32 s3;
	_ =	sdelay $0x1  }
0xa1: {  	s23 =	simm.s32 $0x1B8B  }
0xa2: {  	_ =	swait.ge [sflag:s23], $0x1  }
0xa3: {  	[sflag:s23] =	ssyncset.done $0x0  }
0xa4: {  	s25 =	simm.s32 $0x1B8E;
	s24 =	sld [smem:$0x3FFE];
	[sflag:s23] =	ssyncadd.s32 $0xFFFFFFFF  }
0xa5: {  	s26 =	simm.s32 $execute0_lowered;
	[smem:$0x3FD2] =	sst s25  }
0xa6: {  	s4 =	sshll.u32 s26, $0x1;
	_ =	strace $0x80000046;
	[dreg:$0x1] =	wrdreg $0xFFFFFFFF  }
0xa7: {  	s28 =	simm.s32 $_size_execute0_lowered;
	s2 =	sadd.s32 s2, s4;
	[dreg:$0x0] =	wrdreg $0x0  }
0xa8: {  	s4 =	sshll.u32 s28, $0x1;
	[dreg:$0x2] =	wrdreg s2  }
0xa9: {  	[dreg:$0x3] =	wrdreg s4  }
0xaa: {  	[dreg:$0x4] =	wrdreg $0xC0  }
0xab: {  	_ =	task [dreg:s6], $0x5FFFF  }
0xac: {  	[dreg:$0x1] =	wrdreg $0xFFFFFFFF  }
0xad: {  	[dreg:$0x0] =	wrdreg $0x60  }
0xae: {  	[dreg:$0x2] =	wrdreg s24  }
0xaf: {  	[dreg:$0x3] =	wrdreg $0x28800  }
0xb0: {  	[dreg:$0x4] =	wrdreg $0x9  }
0xb1: {  	_ =	task.clear_ibuf [dreg:s6], $0x5FFFF;
	_ =	strace $0x90000046  }
0xb2: {  	s29 =	simm.s32 $0x9;
	_ =	strace $0x80000048  }
0xb3: {  	_ =	swait.ge [sflag:s29], $0x1  }
0xb4: {  	[sflag:s29] =	ssyncadd.s32 $0xFFFFFFFF  }
0xb5: {  	_ =	strace $0x90000048  }
0xb6: {  	_ =	sfence  }
0xb7: {  	s30 =	sld [smem:$0x0];
	_ =	sdelay $0x2  }
0xb8: {  	s31 =	sshll.u32 s1, $0xD;
	s1 =	sshrl.u32 s1, $0x2  }
0xb9: {  	s3 =	sand.u32 $0x4000, s31;
	s1 =	sadd.s32 s1, s30  }
0xba: {  	s0 =	sor.u32 s3, s0;
	s1 =	sshll.u32 s1, $0x11  }
0xbb: {  	s0 =	sor.u32 s1, s0  }
0xbc: {  	s0 =	sadd.s32 $0x8F2B, s0  }
0xbd: {  	[sflag:s0] =	ssyncadd.remote.s32 $0x1  }
0xbe: {  	_ =	sfence.sel $0xFFFF  }
0xbf: {  	[dreg:$0x0] =	wrdreg $0xFFFFFFFF;
	(pc) =	sbr.abs _section_cstart, $3  }
0xc0: {  	[dreg:$0x1] =	wrdreg $0xFFFFFFFF  }
0xc1: {  	_ =	task.clear_ibuf [dreg:s6], $0x2FFFF;
	_ =	strace $0x9FFFFFFF  }
0xc2: {  	(tm) =	ssettm $0x7FFFFFFF  }
0xc3: {  	_ =	shalt  }
tec
execute0_lowered:
.L_overlay_start_1:
0x0: {  	(tag) =	ssettag $0x1  }
0x1: {  	s1 =	srdreg.scid  }
0x2: {  	s0 =	stileid.u32;
	s5 =	rddreg [dreg:$0x0]  }
0x3: {  	s2 =	rddreg [dreg:$0x1];
	s3 =	simm.s32 $0x0;
	s13 =	simm.s32 $0x80  }
0x4: {  	s14 =	simm.s32 $0x20;
	s15 =	simm.s32 $0x10;
	s16 =	simm.s32 $0x0  }
0x5: {  	s4 =	sand.u32 $0x1, s1;
	s28 =	sshll.u32 s0, $0x1;
	s7 =	smul.u32 $0x280, s0  }
0x6: {  	[smem:$0x7FF] =	sst s3;
	s8 =	smul.u32 $0x500, s0;
	s12 =	sshll.u32 s0, $0x6  }
0x7: {  	s1 =	sor.u32 s4, s28;
	s9 =	sshll.u32 s4, $0x7;
	s30 =	ssub.s32 $0x2, s4  }
0x8: {  	s4 =	sadd.s32 $0xC600, s5;
	s6 =	smul.u32 $0x500, s1;
	s1 =	rddreg [dreg:$0x2]  }
0x9: {  	_ =	strace $0x80000047;
	s10 =	sshrl.u32 s7, $0x3;
	s8 =	sor.u32 s9, s8  }
0xa: {  	s31 =	sshrl.u32 s30, $0x1;
	s11 =	sadd.s32 s7, s2;
	s9 =	simm.s32 $0x1  }
0xb: {  	s29 =	sadd.s32 s10, s5;
	s8 =	sshrl.u32 s8, $0x3;
	s10 =	ssub.s32 s30, s31  }
0xc: {  	s11 =	sshrl.u32 s11, $0x3;
	s6 =	sadd.s32 s6, s5;
	s8 =	sadd.s32 s8, s5  }
0xd: {  	s5 =	sadd.s32 $0x2600, s6;
	s6 =	sadd.s32 $0xC800, s29;
	s7 =	sadd.s32 $0xCE00, s8  }
0xe: {  	s8 =	smax.u32 s10, $0x1;
	s10 =	sor.u32 $0x1C01, s12;
	s12 =	simm.s32 $0x2800  }
.LBB2_1:
0xf: {  	[tilespmem:s3], [sflag:$0x1] =	stream.linear.gather [hbm4b:s5+s3], $0x2800, $0x38;
	[tilespmem:$0x2B00] =	vst v63  }
0x10: {  	_ =	swait.ge [sflag:s9], $0x2800  }
0x11: {  	[sflag:s9] =	ssyncset.done $0x0  }
0x12: {  	[sflag:s9] =	ssyncadd.s32 $0xFFFFD800  }
0x13: {  	[spmem:s11], [sflag:s10] =	dma.local [hbm:s6], $0x50  }
0x14: {  	_ =	swait.ge [sflag:s9], $0x50  }
0x15: {  	[sflag:s9] =	ssyncset.done $0x0  }
0x16: {  	[sflag:s9] =	ssyncadd.s32 $0xFFFFFFB0  }
0x17: {  	[tilespmem:s12], [sflag:$0x1] =	stream.linear.gather [hbm4b:s4+s3], $0x80, $0x38;
	[tilespmem:$0x2B00] =	vst v63  }
0x18: {  	_ =	swait.ge [sflag:s9], $0x80  }
0x19: {  	[sflag:s9] =	ssyncset.done $0x0  }
0x1a: {  	[sflag:s9] =	ssyncadd.s32 $0xFFFFFF80  }
0x1b: {  	s17 =	simm.s32 $0x0;
	[bflag:$0x0] =	sbarrier.arrive $0xFFFF  }
0x1c: {  	[spmem:s2] =	stream.indirect.scatter.add.f32 [tilespmem:s12], [sflag:$0x1], $0x1, s17, s13, $0xb8;
	[tilespmem:$0x2B00] =	vst v63  }
0x1d: {  	_ =	swait.ge [sflag:s9], $0x80  }
0x1e: {  	s17 =	simm.s32 $0x200;
	[sflag:s9] =	ssyncset.done $0x0  }
.LBB2_2:
0x1f: {  	s18 =	sshra.s32 s17, $0x2;
	[sflag:s9] =	ssyncadd.s32 $0xFFFFFF80;
	p0 =	sne.s32 s17, $0x9E00  }
0x20: {  	[spmem:s2] =	stream.indirect.scatter.add.f32 [tilespmem:s12], [sflag:$0x1], $0x1, s18, s13, $0xb8;
	[tilespmem:$0x2B00] =	vst v63  }
.Ltmp0:
0x21: {  	_ = 	snop;
	(pc) =	sbr.rel @p0 .LBB2_2-.Ltmp0, $4  }
0x22: {  	_ = 	snop  }
0x23: {  	s17 =	sadd.s32 $0x200, s17  }
0x24: {  	_ =	swait.ge [sflag:s9], $0x80  }
0x25: {  	[sflag:s9] =	ssyncset.done $0x0  }
0x26: {  	s16 =	sadd.s32 $0x1, s16  }
0x27: {  	[sflag:s9] =	ssyncadd.s32 $0xFFFFFF80;
	p0 =	sne.s32 s16, s8  }
.Ltmp1:
0x28: {  	[bflag:$0x0] =	sbarrier.arrive $0xFFFF;
	(pc) =	sbr.rel @p0 .LBB2_1-.Ltmp1, $4  }
0x29: {  	[hbm:s7@s14], [sflag:s10] =	dma.strided [spmem:s11@s15], $0x50, s9, $0x10   }
0x2a: {  	_ =	swait.ge [sflag:s9], $0x50  }
0x2b: {  	[sflag:s9] =	ssyncset.done $0x0  }
0x2c: {  	[sflag:s9] =	ssyncadd.s32 $0xFFFFFFB0  }
0x2d: {  	_ =	sfence.sel $0x180000  }
0x2e: {  	[bflag:$0x0] =	sbarrier.arrive $0xFFFF  }
0x2f: {  	p0 =	sne.s32 s0, $0x0;
	_ =	strace $0x90000047  }
0x30: {  	s0 =	sadd.s32 @!p0 $0x100000, s1;
	[bflag:$0x2] =	sbarrier.arrive $0xFFFF  }
0x31: {  	[sflag:s0] =	ssyncadd.tile.s32 @!p0 $0x1;
	_ =	shalt  }
.Lfunc_end2:
_tile_overlayer_lowered:
.L_overlay_start_2:
0x32: {  	(tag) =	ssettag $0x2  }
0x33: {  	s0 =	rddreg [dreg:$0x0];
	s2 =	stileid.u32  }
0x34: {  	s1 =	rddreg [dreg:$0x1];
	p0 =	sne.s32 s2, $0x0  }
0x35: {  	s3 =	rddreg [dreg:$0x2];
	[bflag:$0x3] =	sbarrier.arrive $0xFFFF;
	s2 =	simm.s32 @!p0 $0x1C01  }
0x36: {  	[timem:s3], [sflag:s2] =	dma.local @!p0 [hbm:s0], s1  }
0x37: {  	s0 =	simm.s32 @!p0 $0x1  }
0x38: {  	_ =	swait.ge @!p0 [sflag:s0], s1  }
0x39: {  	s1 =	ssub.s32 @!p0 $0x0, s1;
	[sflag:s0] =	ssyncset.done @!p0 $0x0  }
0x3a: {  	[sflag:s0] =	ssyncadd.s32 @!p0 s1  }
0x3b: {  	[bflag:$0x3] =	sbarrier.arrive $0xFFFF  }
0x3c: {  	_ =	shalt  }

</sc_bundles>
